<compile_context>
chip_gen: v7x
topology: tpu7x:2x2x1
jax: 0.10.2.dev20260603
libtpu: 0.0.44.dev20260713+nightly
codegen_flags: <defaults>
</compile_context>

<pallas_src>
import jax
import jax.numpy as jnp
from jax import lax
from jax.experimental import pallas as pl
from jax.experimental.pallas import tpu as pltpu
from jax.experimental.pallas import tpu_sc as plsc

N_NODES = 10000
N_EDGES = 320000
CHANNELS = 128
EPSILON = 0.1
GAMMA = 0.1

NPAD = 10240
NC = 2
NS = 16
NW = NC * NS
CH = 80
EPW = N_EDGES // NW
M = EPW // CH
ROWS_PER_SUB = NPAD // NS


def _copy80(src_ref, dst_ref, base):
    for k in range(CH // 16):
        dst_ref[pl.ds(k * 16, 16)] = src_ref[pl.ds(base + k * 16, 16)]



def _degree_body(edge_hbm, z_hbm, deg_out, deg_sp, ones_v, didx1d,
                 dcur0, dcur1, sem0, sem1):
    c = lax.axis_index("c")
    s = lax.axis_index("s")
    wid = c * NS + s

    @pl.when(s == 0)
    def _():
        pltpu.sync_copy(z_hbm, deg_sp)

    pltpu.sync_copy(edge_hbm.at[NW + wid], didx1d)

    ov = jnp.ones((16,), jnp.float32)

    def fill_ones(i, _):
        ones_v[i, :] = ov
        return 0

    lax.fori_loop(0, CH, fill_ones, 0)
    plsc.subcore_barrier()

    _copy80(didx1d, dcur0, 0)
    pltpu.async_copy(ones_v, deg_sp.at[dcur0], sem0, add=True)
    _copy80(didx1d, dcur1, CH)
    pltpu.async_copy(ones_v, deg_sp.at[dcur1], sem1, add=True)

    def body(jj, _):
        a = 2 * jj
        b = a + 1
        pltpu.make_async_copy(ones_v, deg_sp.at[dcur0], sem0).wait()
        _copy80(didx1d, dcur0, (a + 2) * CH)
        pltpu.async_copy(ones_v, deg_sp.at[dcur0], sem0, add=True)
        pltpu.make_async_copy(ones_v, deg_sp.at[dcur1], sem1).wait()

        @pl.when(b + 2 < M)
        def _():
            _copy80(didx1d, dcur1, (b + 2) * CH)
            pltpu.async_copy(ones_v, deg_sp.at[dcur1], sem1, add=True)

        return 0

    lax.fori_loop(0, (M - 1) // 2, body, 0)
    pltpu.make_async_copy(ones_v, deg_sp.at[dcur0], sem0).wait()
    plsc.subcore_barrier()

    sl = pl.ds(s * ROWS_PER_SUB, ROWS_PER_SUB)
    pltpu.sync_copy(deg_sp.at[sl], deg_out.at[c, sl])



NSLOT = 4


def _aggregate_body(edge_hbm, y_hbm, z_hbm, props_out,
                    acc_sp, sidx1d, didx1d, dcurs, rows, sems):
    c = lax.axis_index("c")
    s = lax.axis_index("s")
    wid = c * NS + s

    @pl.when(s == 0)
    def _():
        pltpu.sync_copy(z_hbm, acc_sp)

    pltpu.sync_copy(edge_hbm.at[wid], sidx1d)
    pltpu.sync_copy(edge_hbm.at[NW + wid], didx1d)
    plsc.subcore_barrier()

    def g_idx(j):
        return sidx1d.at[pl.ds(j * CH, CH)]

    for k in range(NSLOT):
        pltpu.async_copy(y_hbm.at[g_idx(k)], rows[k], sems[k])

    def body(jj, _):
        base4 = NSLOT * jj
        for k in range(NSLOT):
            ch = base4 + k
            _copy80(didx1d, dcurs[k], ch * CH)
            pltpu.make_async_copy(y_hbm.at[g_idx(ch)], rows[k], sems[k]).wait()
            pltpu.sync_copy(rows[k], acc_sp.at[dcurs[k]], add=True)

            @pl.when(ch + NSLOT < M)
            def _():
                pltpu.async_copy(y_hbm.at[g_idx(ch + NSLOT)], rows[k], sems[k])

        return 0

    lax.fori_loop(0, (M - 1) // NSLOT, body, 0)
    _copy80(didx1d, dcurs[0], (M - 1) * CH)
    pltpu.make_async_copy(y_hbm.at[g_idx(M - 1)], rows[0], sems[0]).wait()
    pltpu.sync_copy(rows[0], acc_sp.at[dcurs[0]], add=True)
    plsc.subcore_barrier()

    sl = pl.ds(s * ROWS_PER_SUB, ROWS_PER_SUB)
    pltpu.sync_copy(acc_sp.at[sl], props_out.at[c * NS + s])



def _prepass_body(x_ref, deg_ref, y_ref):
    deg = (deg_ref[0] + deg_ref[1])[:, 0:1]
    dinv = jnp.where(deg > 0.5, lax.rsqrt(jnp.maximum(deg, 1e-12)), 0.0)
    y_ref[...] = (x_ref[...] * dinv).astype(jnp.bfloat16)



def _final_body(x_ref, w_ref, b_ref, deg_ref, p0_ref, p1_ref, out_ref):
    deg = (deg_ref[0] + deg_ref[1])[:, 0:1]
    dinv = jnp.where(deg > 0.5, lax.rsqrt(jnp.maximum(deg, 1e-12)), 0.0)
    blk = out_ref.shape[0]
    prop = (p0_ref[...].astype(jnp.float32).reshape(blk, CHANNELS)
            + p1_ref[...].astype(jnp.float32).reshape(blk, CHANNELS)) * dinv
    w = w_ref[...]
    ii = lax.broadcasted_iota(jnp.int32, (CHANNELS, CHANNELS), 0)
    jj = lax.broadcasted_iota(jnp.int32, (CHANNELS, CHANNELS), 1)
    eye = jnp.where(ii == jj, jnp.float32(GAMMA), jnp.float32(0.0))
    op = w - w.T - eye
    xb = x_ref[...]
    pre = jnp.dot(xb, op, preferred_element_type=jnp.float32) + b_ref[...]
    out_ref[...] = xb + EPSILON * jnp.tanh(pre + prop)


def kernel(x, edge_index, weight, bias):
    edge2 = edge_index.astype(jnp.int32).reshape(2 * NW, EPW)
    bias2d = bias.reshape(1, CHANNELS)
    z16 = jnp.zeros((NPAD, 16), jnp.float32)
    z128 = jnp.zeros((NPAD, CHANNELS), jnp.bfloat16)

    mesh = plsc.VectorSubcoreMesh(core_axis_name="c", subcore_axis_name="s")

    deg2d = pl.kernel(
        _degree_body,
        out_type=jax.ShapeDtypeStruct((NC, NPAD, 16), jnp.float32),
        mesh=mesh,
        compiler_params=pltpu.CompilerParams(use_tc_tiling_on_sc=False),
        scratch_types=[
            pltpu.VMEM_SHARED((NPAD, 16), jnp.float32),
            pltpu.VMEM((CH, 16), jnp.float32),
            pltpu.VMEM((EPW,), jnp.int32),
            pltpu.VMEM((CH,), jnp.int32),
            pltpu.VMEM((CH,), jnp.int32),
            pltpu.SemaphoreType.DMA,
            pltpu.SemaphoreType.DMA,
        ],
    )(edge2, z16)

    nblk = 10
    blk = N_NODES // nblk
    y = pl.pallas_call(
        _prepass_body,
        grid=(nblk,),
        in_specs=[
            pl.BlockSpec((blk, CHANNELS), lambda i: (i, 0)),
            pl.BlockSpec((NC, blk, 16), lambda i: (0, i, 0)),
        ],
        out_specs=pl.BlockSpec((blk, CHANNELS), lambda i: (i, 0)),
        out_shape=jax.ShapeDtypeStruct((N_NODES, CHANNELS), jnp.bfloat16),
    )(x, deg2d)

    props = pl.kernel(
        _aggregate_body,
        out_type=jax.ShapeDtypeStruct((NW, ROWS_PER_SUB, CHANNELS),
                                      jnp.bfloat16),
        mesh=mesh,
        compiler_params=pltpu.CompilerParams(use_tc_tiling_on_sc=False),
        scratch_types=[
            pltpu.VMEM_SHARED((NPAD, CHANNELS), jnp.bfloat16),
            pltpu.VMEM((EPW,), jnp.int32),
            pltpu.VMEM((EPW,), jnp.int32),
            [pltpu.VMEM((CH,), jnp.int32) for _ in range(NSLOT)],
            [pltpu.VMEM((CH, CHANNELS), jnp.bfloat16) for _ in range(NSLOT)],
            [pltpu.SemaphoreType.DMA for _ in range(NSLOT)],
        ],
    )(edge2, y, z128)
    props1d = props.reshape(NC * NPAD * CHANNELS)

    fblk = 1024
    fnblk = NPAD // fblk
    out = pl.pallas_call(
        _final_body,
        grid=(fnblk,),
        in_specs=[
            pl.BlockSpec((fblk, CHANNELS), lambda i: (i, 0)),
            pl.BlockSpec((CHANNELS, CHANNELS), lambda i: (0, 0)),
            pl.BlockSpec((1, CHANNELS), lambda i: (0, 0)),
            pl.BlockSpec((NC, fblk, 16), lambda i: (0, i, 0)),
            pl.BlockSpec((fblk * CHANNELS,), lambda i: (i,)),
            pl.BlockSpec((fblk * CHANNELS,), lambda i: (i + fnblk,)),
        ],
        out_specs=pl.BlockSpec((fblk, CHANNELS), lambda i: (i, 0)),
        out_shape=jax.ShapeDtypeStruct((N_NODES, CHANNELS), jnp.float32),
    )(x, weight, bias2d, deg2d, props1d, props1d)

    return out

# --- scband reference (transcript-rebuilt; emitter-appended) ---
"""Pipeline reference for scband-anti-symmetric-conv-936302871056 (READ-ONLY COPY).

The authoritative reference and input builder live on the scoring server;
editing this copy changes nothing except your own understanding.
"""

import jax, jax.numpy as jnp
import numpy as np

N_NODES = 10000
N_EDGES = 320000
CHANNELS = 128
NUM_ITERS = 1
EPSILON = 0.1
GAMMA = 0.1


def symmetric_propagate(x, edge_index):
    src = edge_index[0]
    dst = edge_index[1]
    n = x.shape[0]
    deg = jnp.zeros((n,), dtype=x.dtype).at[dst].add(1.0)
    deg_inv_sqrt = jnp.where(deg > 0, jax.lax.rsqrt(jnp.maximum(deg, 1e-12)), 0.0)
    norm = deg_inv_sqrt[src] * deg_inv_sqrt[dst]
    msgs = x[src] * norm[:, None]
    out = jnp.zeros_like(x).at[dst].add(msgs)
    return out


def setup_inputs(seed: int = 0) -> dict:
    key = jax.random.key(seed)
    k1, k2, k3 = jax.random.split(key, 3)
    x = jax.random.normal(k1, (N_NODES, CHANNELS), dtype=jnp.float32)
    edge_index = jax.random.randint(k2, (2, N_EDGES), 0, N_NODES, dtype=jnp.int64)
    # xavier_uniform init for weight [channels, channels]
    limit = float(np.sqrt(6.0 / (CHANNELS + CHANNELS)))
    weight = jax.random.uniform(k3, (CHANNELS, CHANNELS), dtype=jnp.float32, minval=-limit, maxval=limit)
    bias = jnp.zeros((CHANNELS,), dtype=jnp.float32)
    return {"x": x, "edge_index": edge_index, "weight": weight, "bias": bias}


def reference(x, edge_index, weight, bias):
    eye = jnp.eye(CHANNELS, dtype=x.dtype)
    operator = weight - weight.T - GAMMA * eye
    state = x
    for _ in range(NUM_ITERS):
        propagated = symmetric_propagate(state, edge_index)
        update = jnp.tanh(state @ operator + propagated + bias)
        state = state + EPSILON * update
    return state

if __name__ == "__main__":
    import jax
    _d = setup_inputs()
    print(jax.jit(kernel)(*tuple(_d.values())))

</pallas_src>

<mosaic_0001>
#map = affine_map<(d0, d1) -> (0, 0)>
#map1 = affine_map<(d0, d1) -> (0, 0, 0)>
module attributes {stable_mosaic.version = 14 : i64} {
  func.func @_aggregate_body(%arg0: i32, %arg1: i32, %arg2: memref<64x10000xi32, #tpu.memory_space<hbm>>, %arg3: memref<10000x128xbf16, #tpu.memory_space<hbm>>, %arg4: memref<10240x128xbf16, #tpu.memory_space<hbm>>, %arg5: memref<32x640x128xbf16, #tpu.memory_space<hbm>>, %arg6: memref<10240x128xbf16, #tpu.memory_space<vmem_shared>>, %arg7: memref<10000xi32, #tpu.memory_space<vmem>>, %arg8: memref<10000xi32, #tpu.memory_space<vmem>>, %arg9: memref<80xi32, #tpu.memory_space<vmem>>, %arg10: memref<80xi32, #tpu.memory_space<vmem>>, %arg11: memref<80xi32, #tpu.memory_space<vmem>>, %arg12: memref<80xi32, #tpu.memory_space<vmem>>, %arg13: memref<80x128xbf16, #tpu.memory_space<vmem>>, %arg14: memref<80x128xbf16, #tpu.memory_space<vmem>>, %arg15: memref<80x128xbf16, #tpu.memory_space<vmem>>, %arg16: memref<80x128xbf16, #tpu.memory_space<vmem>>, %arg17: memref<!tpu.dma_semaphore, #tpu.memory_space<semaphore_mem>>, %arg18: memref<!tpu.dma_semaphore, #tpu.memory_space<semaphore_mem>>, %arg19: memref<!tpu.dma_semaphore, #tpu.memory_space<semaphore_mem>>, %arg20: memref<!tpu.dma_semaphore, #tpu.memory_space<semaphore_mem>>) attributes {dimension_semantics = [#tpu.dimension_semantics<core_parallel>, #tpu.dimension_semantics<subcore_parallel>], iteration_bounds = array<i64: 2, 16>, scalar_prefetch = 0 : i64, scratch_operands = 15 : i64, tpu.core_type = #tpu.core_type<sc_vector_subcore>, window_params = [{transform_indices = #map}, {transform_indices = #map}, {transform_indices = #map}, {transform_indices = #map1}]} {
    %mul3A = arith.constant 16 : i32
    %mul3A_0 = arith.muli %arg0, %mul3A : i32
    %add3A = arith.addi %mul3A_0, %arg1 : i32
    %eq3A = arith.constant 0 : i32
    %eq3A_1 = arith.cmpi eq, %arg1, %eq3A : i32
    %convert_element_type3A = arith.extui %eq3A_1 : i1 to i32
    %cond3A = arith.constant 0 : i32
    %cond3A_2 = arith.cmpi ne, %convert_element_type3A, %cond3A : i32
    scf.if %cond3A_2 {
      "tpu.region"() ({
        %run_scoped3A = tpu.sem_alloc : memref<!tpu.dma_semaphore, #tpu.memory_space<semaphore_mem>>
        tpu.enqueue_dma source(%arg4 : memref<10240x128xbf16, #tpu.memory_space<hbm>>) target(%arg6 : memref<10240x128xbf16, #tpu.memory_space<vmem_shared>>) target_semaphore(%run_scoped3A : memref<!tpu.dma_semaphore, #tpu.memory_space<semaphore_mem>>)
        tpu.wait_dma2 semaphore(%run_scoped3A : memref<!tpu.dma_semaphore, #tpu.memory_space<semaphore_mem>>) src(%arg4 : memref<10240x128xbf16, #tpu.memory_space<hbm>>) dst(%arg6 : memref<10240x128xbf16, #tpu.memory_space<vmem_shared>>)
        tpu.yield
      }) : () -> ()
    } else {
    }
    "tpu.region"() ({
      %run_scoped3A = tpu.sem_alloc : memref<!tpu.dma_semaphore, #tpu.memory_space<semaphore_mem>>
      %dma_start3A_73 = arith.constant 0 : i32
      %dma_start3A_74 = tpu.memref_slice %arg2[%add3A, %dma_start3A_73] : memref<64x10000xi32, #tpu.memory_space<hbm>> -> memref<1x10000xi32, #tpu.memory_space<hbm>>
      %dma_start3A_75 = tpu.memref_squeeze %dma_start3A_74 : memref<1x10000xi32, #tpu.memory_space<hbm>> -> memref<10000xi32, #tpu.memory_space<hbm>>
      %dma_start3A_76 = arith.constant 0 : i32
      %dma_start3A_77 = tpu.memref_slice %arg2[%add3A, %dma_start3A_76] : memref<64x10000xi32, #tpu.memory_space<hbm>> -> memref<1x10000xi32, #tpu.memory_space<hbm>>
      %dma_start3A_78 = tpu.memref_squeeze %dma_start3A_77 : memref<1x10000xi32, #tpu.memory_space<hbm>> -> memref<10000xi32, #tpu.memory_space<hbm>>
      tpu.enqueue_dma source(%dma_start3A_78 : memref<10000xi32, #tpu.memory_space<hbm>>) target(%arg7 : memref<10000xi32, #tpu.memory_space<vmem>>) target_semaphore(%run_scoped3A : memref<!tpu.dma_semaphore, #tpu.memory_space<semaphore_mem>>)
      %dma_wait3A_79 = arith.constant 0 : i32
      %dma_wait3A_80 = tpu.memref_slice %arg2[%add3A, %dma_wait3A_79] : memref<64x10000xi32, #tpu.memory_space<hbm>> -> memref<1x10000xi32, #tpu.memory_space<hbm>>
      %dma_wait3A_81 = tpu.memref_squeeze %dma_wait3A_80 : memref<1x10000xi32, #tpu.memory_space<hbm>> -> memref<10000xi32, #tpu.memory_space<hbm>>
      %dma_wait3A_82 = arith.constant 0 : i32
      %dma_wait3A_83 = tpu.memref_slice %arg2[%add3A, %dma_wait3A_82] : memref<64x10000xi32, #tpu.memory_space<hbm>> -> memref<1x10000xi32, #tpu.memory_space<hbm>>
      %dma_wait3A_84 = tpu.memref_squeeze %dma_wait3A_83 : memref<1x10000xi32, #tpu.memory_space<hbm>> -> memref<10000xi32, #tpu.memory_space<hbm>>
      tpu.wait_dma2 semaphore(%run_scoped3A : memref<!tpu.dma_semaphore, #tpu.memory_space<semaphore_mem>>) src(%dma_wait3A_84 : memref<10000xi32, #tpu.memory_space<hbm>>) dst(%arg7 : memref<10000xi32, #tpu.memory_space<vmem>>)
      tpu.yield
    }) : () -> ()
    %add3A_3 = arith.constant 32 : i32
    %add3A_4 = arith.addi %add3A_3, %add3A : i32
    "tpu.region"() ({
      %run_scoped3A = tpu.sem_alloc : memref<!tpu.dma_semaphore, #tpu.memory_space<semaphore_mem>>
      %dma_start3A_73 = arith.constant 0 : i32
      %dma_start3A_74 = tpu.memref_slice %arg2[%add3A_4, %dma_start3A_73] : memref<64x10000xi32, #tpu.memory_space<hbm>> -> memref<1x10000xi32, #tpu.memory_space<hbm>>
      %dma_start3A_75 = tpu.memref_squeeze %dma_start3A_74 : memref<1x10000xi32, #tpu.memory_space<hbm>> -> memref<10000xi32, #tpu.memory_space<hbm>>
      %dma_start3A_76 = arith.constant 0 : i32
      %dma_start3A_77 = tpu.memref_slice %arg2[%add3A_4, %dma_start3A_76] : memref<64x10000xi32, #tpu.memory_space<hbm>> -> memref<1x10000xi32, #tpu.memory_space<hbm>>
      %dma_start3A_78 = tpu.memref_squeeze %dma_start3A_77 : memref<1x10000xi32, #tpu.memory_space<hbm>> -> memref<10000xi32, #tpu.memory_space<hbm>>
      tpu.enqueue_dma source(%dma_start3A_78 : memref<10000xi32, #tpu.memory_space<hbm>>) target(%arg8 : memref<10000xi32, #tpu.memory_space<vmem>>) target_semaphore(%run_scoped3A : memref<!tpu.dma_semaphore, #tpu.memory_space<semaphore_mem>>)
      %dma_wait3A_79 = arith.constant 0 : i32
      %dma_wait3A_80 = tpu.memref_slice %arg2[%add3A_4, %dma_wait3A_79] : memref<64x10000xi32, #tpu.memory_space<hbm>> -> memref<1x10000xi32, #tpu.memory_space<hbm>>
      %dma_wait3A_81 = tpu.memref_squeeze %dma_wait3A_80 : memref<1x10000xi32, #tpu.memory_space<hbm>> -> memref<10000xi32, #tpu.memory_space<hbm>>
      %dma_wait3A_82 = arith.constant 0 : i32
      %dma_wait3A_83 = tpu.memref_slice %arg2[%add3A_4, %dma_wait3A_82] : memref<64x10000xi32, #tpu.memory_space<hbm>> -> memref<1x10000xi32, #tpu.memory_space<hbm>>
      %dma_wait3A_84 = tpu.memref_squeeze %dma_wait3A_83 : memref<1x10000xi32, #tpu.memory_space<hbm>> -> memref<10000xi32, #tpu.memory_space<hbm>>
      tpu.wait_dma2 semaphore(%run_scoped3A : memref<!tpu.dma_semaphore, #tpu.memory_space<semaphore_mem>>) src(%dma_wait3A_84 : memref<10000xi32, #tpu.memory_space<hbm>>) dst(%arg8 : memref<10000xi32, #tpu.memory_space<vmem>>)
      tpu.yield
    }) : () -> ()
    %barrier3A = arith.constant 0 : index
    tpu.barrier barrier_id(%barrier3A)
    %dma_start3A = arith.constant 0 : i32
    %dma_start3A_5 = tpu.memref_slice %arg7[%dma_start3A] : memref<10000xi32, #tpu.memory_space<vmem>> -> memref<80xi32, #tpu.memory_space<vmem>>
    %dma_start3A_6 = arith.constant 0 : i32
    %dma_start3A_7 = arith.constant 0 : i32
    %dma_start3A_8 = tpu.memref_slice %arg3[%dma_start3A_6, %dma_start3A_7] : memref<10000x128xbf16, #tpu.memory_space<hbm>> -> memref<10000x128xbf16, #tpu.memory_space<hbm>>
    tpu.enqueue_indirect_dma source(%dma_start3A_8 : memref<10000x128xbf16, #tpu.memory_space<hbm>>) target(%arg13 : memref<80x128xbf16, #tpu.memory_space<vmem>>) offsets(%dma_start3A_5 : memref<80xi32, #tpu.memory_space<vmem>>) semaphore(%arg17 : memref<!tpu.dma_semaphore, #tpu.memory_space<semaphore_mem>>)
    %dma_start3A_9 = arith.constant 80 : i32
    %dma_start3A_10 = tpu.memref_slice %arg7[%dma_start3A_9] : memref<10000xi32, #tpu.memory_space<vmem>> -> memref<80xi32, #tpu.memory_space<vmem>>
    %dma_start3A_11 = arith.constant 0 : i32
    %dma_start3A_12 = arith.constant 0 : i32
    %dma_start3A_13 = tpu.memref_slice %arg3[%dma_start3A_11, %dma_start3A_12] : memref<10000x128xbf16, #tpu.memory_space<hbm>> -> memref<10000x128xbf16, #tpu.memory_space<hbm>>
    tpu.enqueue_indirect_dma source(%dma_start3A_13 : memref<10000x128xbf16, #tpu.memory_space<hbm>>) target(%arg14 : memref<80x128xbf16, #tpu.memory_space<vmem>>) offsets(%dma_start3A_10 : memref<80xi32, #tpu.memory_space<vmem>>) semaphore(%arg18 : memref<!tpu.dma_semaphore, #tpu.memory_space<semaphore_mem>>)
    %dma_start3A_14 = arith.constant 160 : i32
    %dma_start3A_15 = tpu.memref_slice %arg7[%dma_start3A_14] : memref<10000xi32, #tpu.memory_space<vmem>> -> memref<80xi32, #tpu.memory_space<vmem>>
    %dma_start3A_16 = arith.constant 0 : i32
    %dma_start3A_17 = arith.constant 0 : i32
    %dma_start3A_18 = tpu.memref_slice %arg3[%dma_start3A_16, %dma_start3A_17] : memref<10000x128xbf16, #tpu.memory_space<hbm>> -> memref<10000x128xbf16, #tpu.memory_space<hbm>>
    tpu.enqueue_indirect_dma source(%dma_start3A_18 : memref<10000x128xbf16, #tpu.memory_space<hbm>>) target(%arg15 : memref<80x128xbf16, #tpu.memory_space<vmem>>) offsets(%dma_start3A_15 : memref<80xi32, #tpu.memory_space<vmem>>) semaphore(%arg19 : memref<!tpu.dma_semaphore, #tpu.memory_space<semaphore_mem>>)
    %dma_start3A_19 = arith.constant 240 : i32
    %dma_start3A_20 = tpu.memref_slice %arg7[%dma_start3A_19] : memref<10000xi32, #tpu.memory_space<vmem>> -> memref<80xi32, #tpu.memory_space<vmem>>
    %dma_start3A_21 = arith.constant 0 : i32
    %dma_start3A_22 = arith.constant 0 : i32
    %dma_start3A_23 = tpu.memref_slice %arg3[%dma_start3A_21, %dma_start3A_22] : memref<10000x128xbf16, #tpu.memory_space<hbm>> -> memref<10000x128xbf16, #tpu.memory_space<hbm>>
    tpu.enqueue_indirect_dma source(%dma_start3A_23 : memref<10000x128xbf16, #tpu.memory_space<hbm>>) target(%arg16 : memref<80x128xbf16, #tpu.memory_space<vmem>>) offsets(%dma_start3A_20 : memref<80xi32, #tpu.memory_space<vmem>>) semaphore(%arg20 : memref<!tpu.dma_semaphore, #tpu.memory_space<semaphore_mem>>)
    %scan3A = arith.constant 0 : i32
    %scan3A_24 = arith.constant 0 : i32
    %scan3A_25 = arith.constant 31 : i32
    %scan3A_26 = arith.addi %scan3A_24, %scan3A_25 : i32
    %scan3A_27 = arith.constant 1 : i32
    %scan3A_28 = scf.for %scan3A_73 = %scan3A_24 to %scan3A_26 step %scan3A_27 iter_args(%scan3A_74 = %scan3A) -> (i32)  : i32 {
      %mul3A_75 = arith.constant 4 : i32
      %mul3A_76 = arith.muli %mul3A_75, %scan3A_73 : i32
      %add3A_77 = arith.constant 0 : i32
      %add3A_78 = arith.addi %mul3A_76, %add3A_77 : i32
      %mul3A_79 = arith.constant 80 : i32
      %mul3A_80 = arith.muli %add3A_78, %mul3A_79 : i32
      %add3A_81 = arith.constant 0 : i32
      %add3A_82 = arith.addi %mul3A_80, %add3A_81 : i32
      %get3A_83 = arith.index_cast %add3A_82 : i32 to index
      %get3A_84 = tpu.vector_load %arg8[%get3A_83] {strides = array<i32>} : memref<10000xi32, #tpu.memory_space<vmem>>, vector<16xi32>,
      %get3A_85 = vector.shape_cast %get3A_84 : vector<16xi32> to vector<16xi32>
      %swap3A_86 = arith.constant 0 : index
      %swap3A_87 = tpu.vector_load %arg9[%swap3A_86] {strides = array<i32>} : memref<80xi32, #tpu.memory_space<vmem>>, vector<16xi32>,
      %swap3A_88 = vector.shape_cast %swap3A_87 : vector<16xi32> to vector<16xi32>
      %swap3A_89 = vector.shape_cast %get3A_85 : vector<16xi32> to vector<16xi32>
      tpu.vector_store %arg9[%swap3A_86], %swap3A_89 {strides = array<i32>} : memref<80xi32, #tpu.memory_space<vmem>>, vector<16xi32>,
      %add3A_90 = arith.constant 16 : i32
      %add3A_91 = arith.addi %mul3A_80, %add3A_90 : i32
      %get3A_92 = arith.index_cast %add3A_91 : i32 to index
      %get3A_93 = tpu.vector_load %arg8[%get3A_92] {strides = array<i32>} : memref<10000xi32, #tpu.memory_space<vmem>>, vector<16xi32>,
      %get3A_94 = vector.shape_cast %get3A_93 : vector<16xi32> to vector<16xi32>
      %swap3A_95 = arith.constant 16 : index
      %swap3A_96 = tpu.vector_load %arg9[%swap3A_95] {strides = array<i32>} : memref<80xi32, #tpu.memory_space<vmem>>, vector<16xi32>,
      %swap3A_97 = vector.shape_cast %swap3A_96 : vector<16xi32> to vector<16xi32>
      %swap3A_98 = vector.shape_cast %get3A_94 : vector<16xi32> to vector<16xi32>
      tpu.vector_store %arg9[%swap3A_95], %swap3A_98 {strides = array<i32>} : memref<80xi32, #tpu.memory_space<vmem>>, vector<16xi32>,
      %add3A_99 = arith.constant 32 : i32
      %add3A_100 = arith.addi %mul3A_80, %add3A_99 : i32
      %get3A_101 = arith.index_cast %add3A_100 : i32 to index
      %get3A_102 = tpu.vector_load %arg8[%get3A_101] {strides = array<i32>} : memref<10000xi32, #tpu.memory_space<vmem>>, vector<16xi32>,
      %get3A_103 = vector.shape_cast %get3A_102 : vector<16xi32> to vector<16xi32>
      %swap3A_104 = arith.constant 32 : index
      %swap3A_105 = tpu.vector_load %arg9[%swap3A_104] {strides = array<i32>} : memref<80xi32, #tpu.memory_space<vmem>>, vector<16xi32>,
      %swap3A_106 = vector.shape_cast %swap3A_105 : vector<16xi32> to vector<16xi32>
      %swap3A_107 = vector.shape_cast %get3A_103 : vector<16xi32> to vector<16xi32>
      tpu.vector_store %arg9[%swap3A_104], %swap3A_107 {strides = array<i32>} : memref<80xi32, #tpu.memory_space<vmem>>, vector<16xi32>,
      %add3A_108 = arith.constant 48 : i32
      %add3A_109 = arith.addi %mul3A_80, %add3A_108 : i32
      %get3A_110 = arith.index_cast %add3A_109 : i32 to index
      %get3A_111 = tpu.vector_load %arg8[%get3A_110] {strides = array<i32>} : memref<10000xi32, #tpu.memory_space<vmem>>, vector<16xi32>,
      %get3A_112 = vector.shape_cast %get3A_111 : vector<16xi32> to vector<16xi32>
      %swap3A_113 = arith.constant 48 : index
      %swap3A_114 = tpu.vector_load %arg9[%swap3A_113] {strides = array<i32>} : memref<80xi32, #tpu.memory_space<vmem>>, vector<16xi32>,
      %swap3A_115 = vector.shape_cast %swap3A_114 : vector<16xi32> to vector<16xi32>
      %swap3A_116 = vector.shape_cast %get3A_112 : vector<16xi32> to vector<16xi32>
      tpu.vector_store %arg9[%swap3A_113], %swap3A_116 {strides = array<i32>} : memref<80xi32, #tpu.memory_space<vmem>>, vector<16xi32>,
      %add3A_117 = arith.constant 64 : i32
      %add3A_118 = arith.addi %mul3A_80, %add3A_117 : i32
      %get3A_119 = arith.index_cast %add3A_118 : i32 to index
      %get3A_120 = tpu.vector_load %arg8[%get3A_119] {strides = array<i32>} : memref<10000xi32, #tpu.memory_space<vmem>>, vector<16xi32>,
      %get3A_121 = vector.shape_cast %get3A_120 : vector<16xi32> to vector<16xi32>
      %swap3A_122 = arith.constant 64 : index
      %swap3A_123 = tpu.vector_load %arg9[%swap3A_122] {strides = array<i32>} : memref<80xi32, #tpu.memory_space<vmem>>, vector<16xi32>,
      %swap3A_124 = vector.shape_cast %swap3A_123 : vector<16xi32> to vector<16xi32>
      %swap3A_125 = vector.shape_cast %get3A_121 : vector<16xi32> to vector<16xi32>
      tpu.vector_store %arg9[%swap3A_122], %swap3A_125 {strides = array<i32>} : memref<80xi32, #tpu.memory_space<vmem>>, vector<16xi32>,
      %mul3A_126 = arith.constant 80 : i32
      %mul3A_127 = arith.muli %add3A_78, %mul3A_126 : i32
      %dma_wait3A_128 = tpu.memref_slice %arg7[%mul3A_127] : memref<10000xi32, #tpu.memory_space<vmem>> -> memref<80xi32, #tpu.memory_space<vmem>>
      %dma_wait3A_129 = arith.constant 0 : i32
      %dma_wait3A_130 = arith.constant 0 : i32
      %dma_wait3A_131 = tpu.memref_slice %arg3[%dma_wait3A_129, %dma_wait3A_130] : memref<10000x128xbf16, #tpu.memory_space<hbm>> -> memref<10000x128xbf16, #tpu.memory_space<hbm>>
      tpu.wait_indirect_dma semaphore(%arg17 : memref<!tpu.dma_semaphore, #tpu.memory_space<semaphore_mem>>) src(%dma_wait3A_131 : memref<10000x128xbf16, #tpu.memory_space<hbm>>) dst(%arg13 : memref<80x128xbf16, #tpu.memory_space<vmem>>)
      "tpu.region"() ({
        %run_scoped3A = tpu.sem_alloc : memref<!tpu.dma_semaphore, #tpu.memory_space<semaphore_mem>>
        %dma_start3A_325 = arith.constant 0 : i32
        %dma_start3A_326 = arith.constant 0 : i32
        %dma_start3A_327 = tpu.memref_slice %arg6[%dma_start3A_325, %dma_start3A_326] : memref<10240x128xbf16, #tpu.memory_space<vmem_shared>> -> memref<10240x128xbf16, #tpu.memory_space<vmem_shared>>
        tpu.enqueue_indirect_dma source(%arg13 : memref<80x128xbf16, #tpu.memory_space<vmem>>) target(%dma_start3A_327 : memref<10240x128xbf16, #tpu.memory_space<vmem_shared>>) offsets(%arg9 : memref<80xi32, #tpu.memory_space<vmem>>) semaphore(%run_scoped3A : memref<!tpu.dma_semaphore, #tpu.memory_space<semaphore_mem>>) {add = true}
        %dma_wait3A_328 = arith.constant 0 : i32
        %dma_wait3A_329 = arith.constant 0 : i32
        %dma_wait3A_330 = tpu.memref_slice %arg6[%dma_wait3A_328, %dma_wait3A_329] : memref<10240x128xbf16, #tpu.memory_space<vmem_shared>> -> memref<10240x128xbf16, #tpu.memory_space<vmem_shared>>
        tpu.wait_indirect_dma semaphore(%run_scoped3A : memref<!tpu.dma_semaphore, #tpu.memory_space<semaphore_mem>>) src(%arg13 : memref<80x128xbf16, #tpu.memory_space<vmem>>) dst(%dma_wait3A_330 : memref<10240x128xbf16, #tpu.memory_space<vmem_shared>>)
        tpu.yield
      }) : () -> ()
      %add3A_132 = arith.constant 4 : i32
      %add3A_133 = arith.addi %add3A_78, %add3A_132 : i32
      %lt3A = arith.constant 125 : i32
      %lt3A_134 = arith.cmpi slt, %add3A_133, %lt3A : i32
      %convert_element_type3A_135 = arith.extui %lt3A_134 : i1 to i32
      %cond3A_136 = arith.constant 0 : i32
      %cond3A_137 = arith.cmpi ne, %convert_element_type3A_135, %cond3A_136 : i32
      scf.if %cond3A_137 {
        %add3A_325 = arith.constant 4 : i32
        %add3A_326 = arith.addi %add3A_78, %add3A_325 : i32
        %mul3A_327 = arith.constant 80 : i32
        %mul3A_328 = arith.muli %add3A_326, %mul3A_327 : i32
        %dma_start3A_329 = tpu.memref_slice %arg7[%mul3A_328] : memref<10000xi32, #tpu.memory_space<vmem>> -> memref<80xi32, #tpu.memory_space<vmem>>
        %dma_start3A_330 = arith.constant 0 : i32
        %dma_start3A_331 = arith.constant 0 : i32
        %dma_start3A_332 = tpu.memref_slice %arg3[%dma_start3A_330, %dma_start3A_331] : memref<10000x128xbf16, #tpu.memory_space<hbm>> -> memref<10000x128xbf16, #tpu.memory_space<hbm>>
        tpu.enqueue_indirect_dma source(%dma_start3A_332 : memref<10000x128xbf16, #tpu.memory_space<hbm>>) target(%arg13 : memref<80x128xbf16, #tpu.memory_space<vmem>>) offsets(%dma_start3A_329 : memref<80xi32, #tpu.memory_space<vmem>>) semaphore(%arg17 : memref<!tpu.dma_semaphore, #tpu.memory_space<semaphore_mem>>)
      } else {
      }
      %add3A_138 = arith.constant 1 : i32
      %add3A_139 = arith.addi %mul3A_76, %add3A_138 : i32
      %mul3A_140 = arith.constant 80 : i32
      %mul3A_141 = arith.muli %add3A_139, %mul3A_140 : i32
      %add3A_142 = arith.constant 0 : i32
      %add3A_143 = arith.addi %mul3A_141, %add3A_142 : i32
      %get3A_144 = arith.index_cast %add3A_143 : i32 to index
      %get3A_145 = tpu.vector_load %arg8[%get3A_144] {strides = array<i32>} : memref<10000xi32, #tpu.memory_space<vmem>>, vector<16xi32>,
      %get3A_146 = vector.shape_cast %get3A_145 : vector<16xi32> to vector<16xi32>
      %swap3A_147 = arith.constant 0 : index
      %swap3A_148 = tpu.vector_load %arg10[%swap3A_147] {strides = array<i32>} : memref<80xi32, #tpu.memory_space<vmem>>, vector<16xi32>,
      %swap3A_149 = vector.shape_cast %swap3A_148 : vector<16xi32> to vector<16xi32>
      %swap3A_150 = vector.shape_cast %get3A_146 : vector<16xi32> to vector<16xi32>
      tpu.vector_store %arg10[%swap3A_147], %swap3A_150 {strides = array<i32>} : memref<80xi32, #tpu.memory_space<vmem>>, vector<16xi32>,
      %add3A_151 = arith.constant 16 : i32
      %add3A_152 = arith.addi %mul3A_141, %add3A_151 : i32
      %get3A_153 = arith.index_cast %add3A_152 : i32 to index
      %get3A_154 = tpu.vector_load %arg8[%get3A_153] {strides = array<i32>} : memref<10000xi32, #tpu.memory_space<vmem>>, vector<16xi32>,
      %get3A_155 = vector.shape_cast %get3A_154 : vector<16xi32> to vector<16xi32>
      %swap3A_156 = arith.constant 16 : index
      %swap3A_157 = tpu.vector_load %arg10[%swap3A_156] {strides = array<i32>} : memref<80xi32, #tpu.memory_space<vmem>>, vector<16xi32>,
      %swap3A_158 = vector.shape_cast %swap3A_157 : vector<16xi32> to vector<16xi32>
      %swap3A_159 = vector.shape_cast %get3A_155 : vector<16xi32> to vector<16xi32>
      tpu.vector_store %arg10[%swap3A_156], %swap3A_159 {strides = array<i32>} : memref<80xi32, #tpu.memory_space<vmem>>, vector<16xi32>,
      %add3A_160 = arith.constant 32 : i32
      %add3A_161 = arith.addi %mul3A_141, %add3A_160 : i32
      %get3A_162 = arith.index_cast %add3A_161 : i32 to index
      %get3A_163 = tpu.vector_load %arg8[%get3A_162] {strides = array<i32>} : memref<10000xi32, #tpu.memory_space<vmem>>, vector<16xi32>,
      %get3A_164 = vector.shape_cast %get3A_163 : vector<16xi32> to vector<16xi32>
      %swap3A_165 = arith.constant 32 : index
      %swap3A_166 = tpu.vector_load %arg10[%swap3A_165] {strides = array<i32>} : memref<80xi32, #tpu.memory_space<vmem>>, vector<16xi32>,
      %swap3A_167 = vector.shape_cast %swap3A_166 : vector<16xi32> to vector<16xi32>
      %swap3A_168 = vector.shape_cast %get3A_164 : vector<16xi32> to vector<16xi32>
      tpu.vector_store %arg10[%swap3A_165], %swap3A_168 {strides = array<i32>} : memref<80xi32, #tpu.memory_space<vmem>>, vector<16xi32>,
      %add3A_169 = arith.constant 48 : i32
      %add3A_170 = arith.addi %mul3A_141, %add3A_169 : i32
      %get3A_171 = arith.index_cast %add3A_170 : i32 to index
      %get3A_172 = tpu.vector_load %arg8[%get3A_171] {strides = array<i32>} : memref<10000xi32, #tpu.memory_space<vmem>>, vector<16xi32>,
      %get3A_173 = vector.shape_cast %get3A_172 : vector<16xi32> to vector<16xi32>
      %swap3A_174 = arith.constant 48 : index
      %swap3A_175 = tpu.vector_load %arg10[%swap3A_174] {strides = array<i32>} : memref<80xi32, #tpu.memory_space<vmem>>, vector<16xi32>,
      %swap3A_176 = vector.shape_cast %swap3A_175 : vector<16xi32> to vector<16xi32>
      %swap3A_177 = vector.shape_cast %get3A_173 : vector<16xi32> to vector<16xi32>
      tpu.vector_store %arg10[%swap3A_174], %swap3A_177 {strides = array<i32>} : memref<80xi32, #tpu.memory_space<vmem>>, vector<16xi32>,
      %add3A_178 = arith.constant 64 : i32
      %add3A_179 = arith.addi %mul3A_141, %add3A_178 : i32
      %get3A_180 = arith.index_cast %add3A_179 : i32 to index
      %get3A_181 = tpu.vector_load %arg8[%get3A_180] {strides = array<i32>} : memref<10000xi32, #tpu.memory_space<vmem>>, vector<16xi32>,
      %get3A_182 = vector.shape_cast %get3A_181 : vector<16xi32> to vector<16xi32>
      %swap3A_183 = arith.constant 64 : index
      %swap3A_184 = tpu.vector_load %arg10[%swap3A_183] {strides = array<i32>} : memref<80xi32, #tpu.memory_space<vmem>>, vector<16xi32>,
      %swap3A_185 = vector.shape_cast %swap3A_184 : vector<16xi32> to vector<16xi32>
      %swap3A_186 = vector.shape_cast %get3A_182 : vector<16xi32> to vector<16xi32>
      tpu.vector_store %arg10[%swap3A_183], %swap3A_186 {strides = array<i32>} : memref<80xi32, #tpu.memory_space<vmem>>, vector<16xi32>,
      %mul3A_187 = arith.constant 80 : i32
      %mul3A_188 = arith.muli %add3A_139, %mul3A_187 : i32
      %dma_wait3A_189 = tpu.memref_slice %arg7[%mul3A_188] : memref<10000xi32, #tpu.memory_space<vmem>> -> memref<80xi32, #tpu.memory_space<vmem>>
      %dma_wait3A_190 = arith.constant 0 : i32
      %dma_wait3A_191 = arith.constant 0 : i32
      %dma_wait3A_192 = tpu.memref_slice %arg3[%dma_wait3A_190, %dma_wait3A_191] : memref<10000x128xbf16, #tpu.memory_space<hbm>> -> memref<10000x128xbf16, #tpu.memory_space<hbm>>
      tpu.wait_indirect_dma semaphore(%arg18 : memref<!tpu.dma_semaphore, #tpu.memory_space<semaphore_mem>>) src(%dma_wait3A_192 : memref<10000x128xbf16, #tpu.memory_space<hbm>>) dst(%arg14 : memref<80x128xbf16, #tpu.memory_space<vmem>>)
      "tpu.region"() ({
        %run_scoped3A = tpu.sem_alloc : memref<!tpu.dma_semaphore, #tpu.memory_space<semaphore_mem>>
        %dma_start3A_325 = arith.constant 0 : i32
        %dma_start3A_326 = arith.constant 0 : i32
        %dma_start3A_327 = tpu.memref_slice %arg6[%dma_start3A_325, %dma_start3A_326] : memref<10240x128xbf16, #tpu.memory_space<vmem_shared>> -> memref<10240x128xbf16, #tpu.memory_space<vmem_shared>>
        tpu.enqueue_indirect_dma source(%arg14 : memref<80x128xbf16, #tpu.memory_space<vmem>>) target(%dma_start3A_327 : memref<10240x128xbf16, #tpu.memory_space<vmem_shared>>) offsets(%arg10 : memref<80xi32, #tpu.memory_space<vmem>>) semaphore(%run_scoped3A : memref<!tpu.dma_semaphore, #tpu.memory_space<semaphore_mem>>) {add = true}
        %dma_wait3A_328 = arith.constant 0 : i32
        %dma_wait3A_329 = arith.constant 0 : i32
        %dma_wait3A_330 = tpu.memref_slice %arg6[%dma_wait3A_328, %dma_wait3A_329] : memref<10240x128xbf16, #tpu.memory_space<vmem_shared>> -> memref<10240x128xbf16, #tpu.memory_space<vmem_shared>>
        tpu.wait_indirect_dma semaphore(%run_scoped3A : memref<!tpu.dma_semaphore, #tpu.memory_space<semaphore_mem>>) src(%arg14 : memref<80x128xbf16, #tpu.memory_space<vmem>>) dst(%dma_wait3A_330 : memref<10240x128xbf16, #tpu.memory_space<vmem_shared>>)
        tpu.yield
      }) : () -> ()
      %add3A_193 = arith.constant 4 : i32
      %add3A_194 = arith.addi %add3A_139, %add3A_193 : i32
      %lt3A_195 = arith.constant 125 : i32
      %lt3A_196 = arith.cmpi slt, %add3A_194, %lt3A_195 : i32
      %convert_element_type3A_197 = arith.extui %lt3A_196 : i1 to i32
      %cond3A_198 = arith.constant 0 : i32
      %cond3A_199 = arith.cmpi ne, %convert_element_type3A_197, %cond3A_198 : i32
      scf.if %cond3A_199 {
        %add3A_325 = arith.constant 4 : i32
        %add3A_326 = arith.addi %add3A_139, %add3A_325 : i32
        %mul3A_327 = arith.constant 80 : i32
        %mul3A_328 = arith.muli %add3A_326, %mul3A_327 : i32
        %dma_start3A_329 = tpu.memref_slice %arg7[%mul3A_328] : memref<10000xi32, #tpu.memory_space<vmem>> -> memref<80xi32, #tpu.memory_space<vmem>>
        %dma_start3A_330 = arith.constant 0 : i32
        %dma_start3A_331 = arith.constant 0 : i32
        %dma_start3A_332 = tpu.memref_slice %arg3[%dma_start3A_330, %dma_start3A_331] : memref<10000x128xbf16, #tpu.memory_space<hbm>> -> memref<10000x128xbf16, #tpu.memory_space<hbm>>
        tpu.enqueue_indirect_dma source(%dma_start3A_332 : memref<10000x128xbf16, #tpu.memory_space<hbm>>) target(%arg14 : memref<80x128xbf16, #tpu.memory_space<vmem>>) offsets(%dma_start3A_329 : memref<80xi32, #tpu.memory_space<vmem>>) semaphore(%arg18 : memref<!tpu.dma_semaphore, #tpu.memory_space<semaphore_mem>>)
      } else {
      }
      %add3A_200 = arith.constant 2 : i32
      %add3A_201 = arith.addi %mul3A_76, %add3A_200 : i32
      %mul3A_202 = arith.constant 80 : i32
      %mul3A_203 = arith.muli %add3A_201, %mul3A_202 : i32
      %add3A_204 = arith.constant 0 : i32
      %add3A_205 = arith.addi %mul3A_203, %add3A_204 : i32
      %get3A_206 = arith.index_cast %add3A_205 : i32 to index
      %get3A_207 = tpu.vector_load %arg8[%get3A_206] {strides = array<i32>} : memref<10000xi32, #tpu.memory_space<vmem>>, vector<16xi32>,
      %get3A_208 = vector.shape_cast %get3A_207 : vector<16xi32> to vector<16xi32>
      %swap3A_209 = arith.constant 0 : index
      %swap3A_210 = tpu.vector_load %arg11[%swap3A_209] {strides = array<i32>} : memref<80xi32, #tpu.memory_space<vmem>>, vector<16xi32>,
      %swap3A_211 = vector.shape_cast %swap3A_210 : vector<16xi32> to vector<16xi32>
      %swap3A_212 = vector.shape_cast %get3A_208 : vector<16xi32> to vector<16xi32>
      tpu.vector_store %arg11[%swap3A_209], %swap3A_212 {strides = array<i32>} : memref<80xi32, #tpu.memory_space<vmem>>, vector<16xi32>,
      %add3A_213 = arith.constant 16 : i32
      %add3A_214 = arith.addi %mul3A_203, %add3A_213 : i32
      %get3A_215 = arith.index_cast %add3A_214 : i32 to index
      %get3A_216 = tpu.vector_load %arg8[%get3A_215] {strides = array<i32>} : memref<10000xi32, #tpu.memory_space<vmem>>, vector<16xi32>,
      %get3A_217 = vector.shape_cast %get3A_216 : vector<16xi32> to vector<16xi32>
      %swap3A_218 = arith.constant 16 : index
      %swap3A_219 = tpu.vector_load %arg11[%swap3A_218] {strides = array<i32>} : memref<80xi32, #tpu.memory_space<vmem>>, vector<16xi32>,
      %swap3A_220 = vector.shape_cast %swap3A_219 : vector<16xi32> to vector<16xi32>
      %swap3A_221 = vector.shape_cast %get3A_217 : vector<16xi32> to vector<16xi32>
      tpu.vector_store %arg11[%swap3A_218], %swap3A_221 {strides = array<i32>} : memref<80xi32, #tpu.memory_space<vmem>>, vector<16xi32>,
      %add3A_222 = arith.constant 32 : i32
      %add3A_223 = arith.addi %mul3A_203, %add3A_222 : i32
      %get3A_224 = arith.index_cast %add3A_223 : i32 to index
      %get3A_225 = tpu.vector_load %arg8[%get3A_224] {strides = array<i32>} : memref<10000xi32, #tpu.memory_space<vmem>>, vector<16xi32>,
      %get3A_226 = vector.shape_cast %get3A_225 : vector<16xi32> to vector<16xi32>
      %swap3A_227 = arith.constant 32 : index
      %swap3A_228 = tpu.vector_load %arg11[%swap3A_227] {strides = array<i32>} : memref<80xi32, #tpu.memory_space<vmem>>, vector<16xi32>,
      %swap3A_229 = vector.shape_cast %swap3A_228 : vector<16xi32> to vector<16xi32>
      %swap3A_230 = vector.shape_cast %get3A_226 : vector<16xi32> to vector<16xi32>
      tpu.vector_store %arg11[%swap3A_227], %swap3A_230 {strides = array<i32>} : memref<80xi32, #tpu.memory_space<vmem>>, vector<16xi32>,
      %add3A_231 = arith.constant 48 : i32
      %add3A_232 = arith.addi %mul3A_203, %add3A_231 : i32
      %get3A_233 = arith.index_cast %add3A_232 : i32 to index
      %get3A_234 = tpu.vector_load %arg8[%get3A_233] {strides = array<i32>} : memref<10000xi32, #tpu.memory_space<vmem>>, vector<16xi32>,
      %get3A_235 = vector.shape_cast %get3A_234 : vector<16xi32> to vector<16xi32>
      %swap3A_236 = arith.constant 48 : index
      %swap3A_237 = tpu.vector_load %arg11[%swap3A_236] {strides = array<i32>} : memref<80xi32, #tpu.memory_space<vmem>>, vector<16xi32>,
      %swap3A_238 = vector.shape_cast %swap3A_237 : vector<16xi32> to vector<16xi32>
      %swap3A_239 = vector.shape_cast %get3A_235 : vector<16xi32> to vector<16xi32>
      tpu.vector_store %arg11[%swap3A_236], %swap3A_239 {strides = array<i32>} : memref<80xi32, #tpu.memory_space<vmem>>, vector<16xi32>,
      %add3A_240 = arith.constant 64 : i32
      %add3A_241 = arith.addi %mul3A_203, %add3A_240 : i32
      %get3A_242 = arith.index_cast %add3A_241 : i32 to index
      %get3A_243 = tpu.vector_load %arg8[%get3A_242] {strides = array<i32>} : memref<10000xi32, #tpu.memory_space<vmem>>, vector<16xi32>,
      %get3A_244 = vector.shape_cast %get3A_243 : vector<16xi32> to vector<16xi32>
      %swap3A_245 = arith.constant 64 : index
      %swap3A_246 = tpu.vector_load %arg11[%swap3A_245] {strides = array<i32>} : memref<80xi32, #tpu.memory_space<vmem>>, vector<16xi32>,
      %swap3A_247 = vector.shape_cast %swap3A_246 : vector<16xi32> to vector<16xi32>
      %swap3A_248 = vector.shape_cast %get3A_244 : vector<16xi32> to vector<16xi32>
      tpu.vector_store %arg11[%swap3A_245], %swap3A_248 {strides = array<i32>} : memref<80xi32, #tpu.memory_space<vmem>>, vector<16xi32>,
      %mul3A_249 = arith.constant 80 : i32
      %mul3A_250 = arith.muli %add3A_201, %mul3A_249 : i32
      %dma_wait3A_251 = tpu.memref_slice %arg7[%mul3A_250] : memref<10000xi32, #tpu.memory_space<vmem>> -> memref<80xi32, #tpu.memory_space<vmem>>
      %dma_wait3A_252 = arith.constant 0 : i32
      %dma_wait3A_253 = arith.constant 0 : i32
      %dma_wait3A_254 = tpu.memref_slice %arg3[%dma_wait3A_252, %dma_wait3A_253] : memref<10000x128xbf16, #tpu.memory_space<hbm>> -> memref<10000x128xbf16, #tpu.memory_space<hbm>>
      tpu.wait_indirect_dma semaphore(%arg19 : memref<!tpu.dma_semaphore, #tpu.memory_space<semaphore_mem>>) src(%dma_wait3A_254 : memref<10000x128xbf16, #tpu.memory_space<hbm>>) dst(%arg15 : memref<80x128xbf16, #tpu.memory_space<vmem>>)
      "tpu.region"() ({
        %run_scoped3A = tpu.sem_alloc : memref<!tpu.dma_semaphore, #tpu.memory_space<semaphore_mem>>
        %dma_start3A_325 = arith.constant 0 : i32
        %dma_start3A_326 = arith.constant 0 : i32
        %dma_start3A_327 = tpu.memref_slice %arg6[%dma_start3A_325, %dma_start3A_326] : memref<10240x128xbf16, #tpu.memory_space<vmem_shared>> -> memref<10240x128xbf16, #tpu.memory_space<vmem_shared>>
        tpu.enqueue_indirect_dma source(%arg15 : memref<80x128xbf16, #tpu.memory_space<vmem>>) target(%dma_start3A_327 : memref<10240x128xbf16, #tpu.memory_space<vmem_shared>>) offsets(%arg11 : memref<80xi32, #tpu.memory_space<vmem>>) semaphore(%run_scoped3A : memref<!tpu.dma_semaphore, #tpu.memory_space<semaphore_mem>>) {add = true}
        %dma_wait3A_328 = arith.constant 0 : i32
        %dma_wait3A_329 = arith.constant 0 : i32
        %dma_wait3A_330 = tpu.memref_slice %arg6[%dma_wait3A_328, %dma_wait3A_329] : memref<10240x128xbf16, #tpu.memory_space<vmem_shared>> -> memref<10240x128xbf16, #tpu.memory_space<vmem_shared>>
        tpu.wait_indirect_dma semaphore(%run_scoped3A : memref<!tpu.dma_semaphore, #tpu.memory_space<semaphore_mem>>) src(%arg15 : memref<80x128xbf16, #tpu.memory_space<vmem>>) dst(%dma_wait3A_330 : memref<10240x128xbf16, #tpu.memory_space<vmem_shared>>)
        tpu.yield
      }) : () -> ()
      %add3A_255 = arith.constant 4 : i32
      %add3A_256 = arith.addi %add3A_201, %add3A_255 : i32
      %lt3A_257 = arith.constant 125 : i32
      %lt3A_258 = arith.cmpi slt, %add3A_256, %lt3A_257 : i32
      %convert_element_type3A_259 = arith.extui %lt3A_258 : i1 to i32
      %cond3A_260 = arith.constant 0 : i32
      %cond3A_261 = arith.cmpi ne, %convert_element_type3A_259, %cond3A_260 : i32
      scf.if %cond3A_261 {
        %add3A_325 = arith.constant 4 : i32
        %add3A_326 = arith.addi %add3A_201, %add3A_325 : i32
        %mul3A_327 = arith.constant 80 : i32
        %mul3A_328 = arith.muli %add3A_326, %mul3A_327 : i32
        %dma_start3A_329 = tpu.memref_slice %arg7[%mul3A_328] : memref<10000xi32, #tpu.memory_space<vmem>> -> memref<80xi32, #tpu.memory_space<vmem>>
        %dma_start3A_330 = arith.constant 0 : i32
        %dma_start3A_331 = arith.constant 0 : i32
        %dma_start3A_332 = tpu.memref_slice %arg3[%dma_start3A_330, %dma_start3A_331] : memref<10000x128xbf16, #tpu.memory_space<hbm>> -> memref<10000x128xbf16, #tpu.memory_space<hbm>>
        tpu.enqueue_indirect_dma source(%dma_start3A_332 : memref<10000x128xbf16, #tpu.memory_space<hbm>>) target(%arg15 : memref<80x128xbf16, #tpu.memory_space<vmem>>) offsets(%dma_start3A_329 : memref<80xi32, #tpu.memory_space<vmem>>) semaphore(%arg19 : memref<!tpu.dma_semaphore, #tpu.memory_space<semaphore_mem>>)
      } else {
      }
      %add3A_262 = arith.constant 3 : i32
      %add3A_263 = arith.addi %mul3A_76, %add3A_262 : i32
      %mul3A_264 = arith.constant 80 : i32
      %mul3A_265 = arith.muli %add3A_263, %mul3A_264 : i32
      %add3A_266 = arith.constant 0 : i32
      %add3A_267 = arith.addi %mul3A_265, %add3A_266 : i32
      %get3A_268 = arith.index_cast %add3A_267 : i32 to index
      %get3A_269 = tpu.vector_load %arg8[%get3A_268] {strides = array<i32>} : memref<10000xi32, #tpu.memory_space<vmem>>, vector<16xi32>,
      %get3A_270 = vector.shape_cast %get3A_269 : vector<16xi32> to vector<16xi32>
      %swap3A_271 = arith.constant 0 : index
      %swap3A_272 = tpu.vector_load %arg12[%swap3A_271] {strides = array<i32>} : memref<80xi32, #tpu.memory_space<vmem>>, vector<16xi32>,
      %swap3A_273 = vector.shape_cast %swap3A_272 : vector<16xi32> to vector<16xi32>
      %swap3A_274 = vector.shape_cast %get3A_270 : vector<16xi32> to vector<16xi32>
      tpu.vector_store %arg12[%swap3A_271], %swap3A_274 {strides = array<i32>} : memref<80xi32, #tpu.memory_space<vmem>>, vector<16xi32>,
      %add3A_275 = arith.constant 16 : i32
      %add3A_276 = arith.addi %mul3A_265, %add3A_275 : i32
      %get3A_277 = arith.index_cast %add3A_276 : i32 to index
      %get3A_278 = tpu.vector_load %arg8[%get3A_277] {strides = array<i32>} : memref<10000xi32, #tpu.memory_space<vmem>>, vector<16xi32>,
      %get3A_279 = vector.shape_cast %get3A_278 : vector<16xi32> to vector<16xi32>
      %swap3A_280 = arith.constant 16 : index
      %swap3A_281 = tpu.vector_load %arg12[%swap3A_280] {strides = array<i32>} : memref<80xi32, #tpu.memory_space<vmem>>, vector<16xi32>,
      %swap3A_282 = vector.shape_cast %swap3A_281 : vector<16xi32> to vector<16xi32>
      %swap3A_283 = vector.shape_cast %get3A_279 : vector<16xi32> to vector<16xi32>
      tpu.vector_store %arg12[%swap3A_280], %swap3A_283 {strides = array<i32>} : memref<80xi32, #tpu.memory_space<vmem>>, vector<16xi32>,
      %add3A_284 = arith.constant 32 : i32
      %add3A_285 = arith.addi %mul3A_265, %add3A_284 : i32
      %get3A_286 = arith.index_cast %add3A_285 : i32 to index
      %get3A_287 = tpu.vector_load %arg8[%get3A_286] {strides = array<i32>} : memref<10000xi32, #tpu.memory_space<vmem>>, vector<16xi32>,
      %get3A_288 = vector.shape_cast %get3A_287 : vector<16xi32> to vector<16xi32>
      %swap3A_289 = arith.constant 32 : index
      %swap3A_290 = tpu.vector_load %arg12[%swap3A_289] {strides = array<i32>} : memref<80xi32, #tpu.memory_space<vmem>>, vector<16xi32>,
      %swap3A_291 = vector.shape_cast %swap3A_290 : vector<16xi32> to vector<16xi32>
      %swap3A_292 = vector.shape_cast %get3A_288 : vector<16xi32> to vector<16xi32>
      tpu.vector_store %arg12[%swap3A_289], %swap3A_292 {strides = array<i32>} : memref<80xi32, #tpu.memory_space<vmem>>, vector<16xi32>,
      %add3A_293 = arith.constant 48 : i32
      %add3A_294 = arith.addi %mul3A_265, %add3A_293 : i32
      %get3A_295 = arith.index_cast %add3A_294 : i32 to index
      %get3A_296 = tpu.vector_load %arg8[%get3A_295] {strides = array<i32>} : memref<10000xi32, #tpu.memory_space<vmem>>, vector<16xi32>,
      %get3A_297 = vector.shape_cast %get3A_296 : vector<16xi32> to vector<16xi32>
      %swap3A_298 = arith.constant 48 : index
      %swap3A_299 = tpu.vector_load %arg12[%swap3A_298] {strides = array<i32>} : memref<80xi32, #tpu.memory_space<vmem>>, vector<16xi32>,
      %swap3A_300 = vector.shape_cast %swap3A_299 : vector<16xi32> to vector<16xi32>
      %swap3A_301 = vector.shape_cast %get3A_297 : vector<16xi32> to vector<16xi32>
      tpu.vector_store %arg12[%swap3A_298], %swap3A_301 {strides = array<i32>} : memref<80xi32, #tpu.memory_space<vmem>>, vector<16xi32>,
      %add3A_302 = arith.constant 64 : i32
      %add3A_303 = arith.addi %mul3A_265, %add3A_302 : i32
      %get3A_304 = arith.index_cast %add3A_303 : i32 to index
      %get3A_305 = tpu.vector_load %arg8[%get3A_304] {strides = array<i32>} : memref<10000xi32, #tpu.memory_space<vmem>>, vector<16xi32>,
      %get3A_306 = vector.shape_cast %get3A_305 : vector<16xi32> to vector<16xi32>
      %swap3A_307 = arith.constant 64 : index
      %swap3A_308 = tpu.vector_load %arg12[%swap3A_307] {strides = array<i32>} : memref<80xi32, #tpu.memory_space<vmem>>, vector<16xi32>,
      %swap3A_309 = vector.shape_cast %swap3A_308 : vector<16xi32> to vector<16xi32>
      %swap3A_310 = vector.shape_cast %get3A_306 : vector<16xi32> to vector<16xi32>
      tpu.vector_store %arg12[%swap3A_307], %swap3A_310 {strides = array<i32>} : memref<80xi32, #tpu.memory_space<vmem>>, vector<16xi32>,
      %mul3A_311 = arith.constant 80 : i32
      %mul3A_312 = arith.muli %add3A_263, %mul3A_311 : i32
      %dma_wait3A_313 = tpu.memref_slice %arg7[%mul3A_312] : memref<10000xi32, #tpu.memory_space<vmem>> -> memref<80xi32, #tpu.memory_space<vmem>>
      %dma_wait3A_314 = arith.constant 0 : i32
      %dma_wait3A_315 = arith.constant 0 : i32
      %dma_wait3A_316 = tpu.memref_slice %arg3[%dma_wait3A_314, %dma_wait3A_315] : memref<10000x128xbf16, #tpu.memory_space<hbm>> -> memref<10000x128xbf16, #tpu.memory_space<hbm>>
      tpu.wait_indirect_dma semaphore(%arg20 : memref<!tpu.dma_semaphore, #tpu.memory_space<semaphore_mem>>) src(%dma_wait3A_316 : memref<10000x128xbf16, #tpu.memory_space<hbm>>) dst(%arg16 : memref<80x128xbf16, #tpu.memory_space<vmem>>)
      "tpu.region"() ({
        %run_scoped3A = tpu.sem_alloc : memref<!tpu.dma_semaphore, #tpu.memory_space<semaphore_mem>>
        %dma_start3A_325 = arith.constant 0 : i32
        %dma_start3A_326 = arith.constant 0 : i32
        %dma_start3A_327 = tpu.memref_slice %arg6[%dma_start3A_325, %dma_start3A_326] : memref<10240x128xbf16, #tpu.memory_space<vmem_shared>> -> memref<10240x128xbf16, #tpu.memory_space<vmem_shared>>
        tpu.enqueue_indirect_dma source(%arg16 : memref<80x128xbf16, #tpu.memory_space<vmem>>) target(%dma_start3A_327 : memref<10240x128xbf16, #tpu.memory_space<vmem_shared>>) offsets(%arg12 : memref<80xi32, #tpu.memory_space<vmem>>) semaphore(%run_scoped3A : memref<!tpu.dma_semaphore, #tpu.memory_space<semaphore_mem>>) {add = true}
        %dma_wait3A_328 = arith.constant 0 : i32
        %dma_wait3A_329 = arith.constant 0 : i32
        %dma_wait3A_330 = tpu.memref_slice %arg6[%dma_wait3A_328, %dma_wait3A_329] : memref<10240x128xbf16, #tpu.memory_space<vmem_shared>> -> memref<10240x128xbf16, #tpu.memory_space<vmem_shared>>
        tpu.wait_indirect_dma semaphore(%run_scoped3A : memref<!tpu.dma_semaphore, #tpu.memory_space<semaphore_mem>>) src(%arg16 : memref<80x128xbf16, #tpu.memory_space<vmem>>) dst(%dma_wait3A_330 : memref<10240x128xbf16, #tpu.memory_space<vmem_shared>>)
        tpu.yield
      }) : () -> ()
      %add3A_317 = arith.constant 4 : i32
      %add3A_318 = arith.addi %add3A_263, %add3A_317 : i32
      %lt3A_319 = arith.constant 125 : i32
      %lt3A_320 = arith.cmpi slt, %add3A_318, %lt3A_319 : i32
      %convert_element_type3A_321 = arith.extui %lt3A_320 : i1 to i32
      %cond3A_322 = arith.constant 0 : i32
      %cond3A_323 = arith.cmpi ne, %convert_element_type3A_321, %cond3A_322 : i32
      scf.if %cond3A_323 {
        %add3A_325 = arith.constant 4 : i32
        %add3A_326 = arith.addi %add3A_263, %add3A_325 : i32
        %mul3A_327 = arith.constant 80 : i32
        %mul3A_328 = arith.muli %add3A_326, %mul3A_327 : i32
        %dma_start3A_329 = tpu.memref_slice %arg7[%mul3A_328] : memref<10000xi32, #tpu.memory_space<vmem>> -> memref<80xi32, #tpu.memory_space<vmem>>
        %dma_start3A_330 = arith.constant 0 : i32
        %dma_start3A_331 = arith.constant 0 : i32
        %dma_start3A_332 = tpu.memref_slice %arg3[%dma_start3A_330, %dma_start3A_331] : memref<10000x128xbf16, #tpu.memory_space<hbm>> -> memref<10000x128xbf16, #tpu.memory_space<hbm>>
        tpu.enqueue_indirect_dma source(%dma_start3A_332 : memref<10000x128xbf16, #tpu.memory_space<hbm>>) target(%arg16 : memref<80x128xbf16, #tpu.memory_space<vmem>>) offsets(%dma_start3A_329 : memref<80xi32, #tpu.memory_space<vmem>>) semaphore(%arg20 : memref<!tpu.dma_semaphore, #tpu.memory_space<semaphore_mem>>)
      } else {
      }
      %scan3A_324 = arith.constant 0 : i32
      scf.yield %scan3A_324 : i32
    }
    %scan3A_29 = arith.constant 31 : i32
    %get3A = arith.constant 9920 : index
    %get3A_30 = tpu.vector_load %arg8[%get3A] {strides = array<i32>} : memref<10000xi32, #tpu.memory_space<vmem>>, vector<16xi32>,
    %get3A_31 = vector.shape_cast %get3A_30 : vector<16xi32> to vector<16xi32>
    %swap3A = arith.constant 0 : index
    %swap3A_32 = tpu.vector_load %arg9[%swap3A] {strides = array<i32>} : memref<80xi32, #tpu.memory_space<vmem>>, vector<16xi32>,
    %swap3A_33 = vector.shape_cast %swap3A_32 : vector<16xi32> to vector<16xi32>
    %swap3A_34 = vector.shape_cast %get3A_31 : vector<16xi32> to vector<16xi32>
    tpu.vector_store %arg9[%swap3A], %swap3A_34 {strides = array<i32>} : memref<80xi32, #tpu.memory_space<vmem>>, vector<16xi32>,
    %get3A_35 = arith.constant 9936 : index
    %get3A_36 = tpu.vector_load %arg8[%get3A_35] {strides = array<i32>} : memref<10000xi32, #tpu.memory_space<vmem>>, vector<16xi32>,
    %get3A_37 = vector.shape_cast %get3A_36 : vector<16xi32> to vector<16xi32>
    %swap3A_38 = arith.constant 16 : index
    %swap3A_39 = tpu.vector_load %arg9[%swap3A_38] {strides = array<i32>} : memref<80xi32, #tpu.memory_space<vmem>>, vector<16xi32>,
    %swap3A_40 = vector.shape_cast %swap3A_39 : vector<16xi32> to vector<16xi32>
    %swap3A_41 = vector.shape_cast %get3A_37 : vector<16xi32> to vector<16xi32>
    tpu.vector_store %arg9[%swap3A_38], %swap3A_41 {strides = array<i32>} : memref<80xi32, #tpu.memory_space<vmem>>, vector<16xi32>,
    %get3A_42 = arith.constant 9952 : index
    %get3A_43 = tpu.vector_load %arg8[%get3A_42] {strides = array<i32>} : memref<10000xi32, #tpu.memory_space<vmem>>, vector<16xi32>,
    %get3A_44 = vector.shape_cast %get3A_43 : vector<16xi32> to vector<16xi32>
    %swap3A_45 = arith.constant 32 : index
    %swap3A_46 = tpu.vector_load %arg9[%swap3A_45] {strides = array<i32>} : memref<80xi32, #tpu.memory_space<vmem>>, vector<16xi32>,
    %swap3A_47 = vector.shape_cast %swap3A_46 : vector<16xi32> to vector<16xi32>
    %swap3A_48 = vector.shape_cast %get3A_44 : vector<16xi32> to vector<16xi32>
    tpu.vector_store %arg9[%swap3A_45], %swap3A_48 {strides = array<i32>} : memref<80xi32, #tpu.memory_space<vmem>>, vector<16xi32>,
    %get3A_49 = arith.constant 9968 : index
    %get3A_50 = tpu.vector_load %arg8[%get3A_49] {strides = array<i32>} : memref<10000xi32, #tpu.memory_space<vmem>>, vector<16xi32>,
    %get3A_51 = vector.shape_cast %get3A_50 : vector<16xi32> to vector<16xi32>
    %swap3A_52 = arith.constant 48 : index
    %swap3A_53 = tpu.vector_load %arg9[%swap3A_52] {strides = array<i32>} : memref<80xi32, #tpu.memory_space<vmem>>, vector<16xi32>,
    %swap3A_54 = vector.shape_cast %swap3A_53 : vector<16xi32> to vector<16xi32>
    %swap3A_55 = vector.shape_cast %get3A_51 : vector<16xi32> to vector<16xi32>
    tpu.vector_store %arg9[%swap3A_52], %swap3A_55 {strides = array<i32>} : memref<80xi32, #tpu.memory_space<vmem>>, vector<16xi32>,
    %get3A_56 = arith.constant 9984 : index
    %get3A_57 = tpu.vector_load %arg8[%get3A_56] {strides = array<i32>} : memref<10000xi32, #tpu.memory_space<vmem>>, vector<16xi32>,
    %get3A_58 = vector.shape_cast %get3A_57 : vector<16xi32> to vector<16xi32>
    %swap3A_59 = arith.constant 64 : index
    %swap3A_60 = tpu.vector_load %arg9[%swap3A_59] {strides = array<i32>} : memref<80xi32, #tpu.memory_space<vmem>>, vector<16xi32>,
    %swap3A_61 = vector.shape_cast %swap3A_60 : vector<16xi32> to vector<16xi32>
    %swap3A_62 = vector.shape_cast %get3A_58 : vector<16xi32> to vector<16xi32>
    tpu.vector_store %arg9[%swap3A_59], %swap3A_62 {strides = array<i32>} : memref<80xi32, #tpu.memory_space<vmem>>, vector<16xi32>,
    %dma_wait3A = arith.constant 9920 : i32
    %dma_wait3A_63 = tpu.memref_slice %arg7[%dma_wait3A] : memref<10000xi32, #tpu.memory_space<vmem>> -> memref<80xi32, #tpu.memory_space<vmem>>
    %dma_wait3A_64 = arith.constant 0 : i32
    %dma_wait3A_65 = arith.constant 0 : i32
    %dma_wait3A_66 = tpu.memref_slice %arg3[%dma_wait3A_64, %dma_wait3A_65] : memref<10000x128xbf16, #tpu.memory_space<hbm>> -> memref<10000x128xbf16, #tpu.memory_space<hbm>>
    tpu.wait_indirect_dma semaphore(%arg17 : memref<!tpu.dma_semaphore, #tpu.memory_space<semaphore_mem>>) src(%dma_wait3A_66 : memref<10000x128xbf16, #tpu.memory_space<hbm>>) dst(%arg13 : memref<80x128xbf16, #tpu.memory_space<vmem>>)
    "tpu.region"() ({
      %run_scoped3A = tpu.sem_alloc : memref<!tpu.dma_semaphore, #tpu.memory_space<semaphore_mem>>
      %dma_start3A_73 = arith.constant 0 : i32
      %dma_start3A_74 = arith.constant 0 : i32
      %dma_start3A_75 = tpu.memref_slice %arg6[%dma_start3A_73, %dma_start3A_74] : memref<10240x128xbf16, #tpu.memory_space<vmem_shared>> -> memref<10240x128xbf16, #tpu.memory_space<vmem_shared>>
      tpu.enqueue_indirect_dma source(%arg13 : memref<80x128xbf16, #tpu.memory_space<vmem>>) target(%dma_start3A_75 : memref<10240x128xbf16, #tpu.memory_space<vmem_shared>>) offsets(%arg9 : memref<80xi32, #tpu.memory_space<vmem>>) semaphore(%run_scoped3A : memref<!tpu.dma_semaphore, #tpu.memory_space<semaphore_mem>>) {add = true}
      %dma_wait3A_76 = arith.constant 0 : i32
      %dma_wait3A_77 = arith.constant 0 : i32
      %dma_wait3A_78 = tpu.memref_slice %arg6[%dma_wait3A_76, %dma_wait3A_77] : memref<10240x128xbf16, #tpu.memory_space<vmem_shared>> -> memref<10240x128xbf16, #tpu.memory_space<vmem_shared>>
      tpu.wait_indirect_dma semaphore(%run_scoped3A : memref<!tpu.dma_semaphore, #tpu.memory_space<semaphore_mem>>) src(%arg13 : memref<80x128xbf16, #tpu.memory_space<vmem>>) dst(%dma_wait3A_78 : memref<10240x128xbf16, #tpu.memory_space<vmem_shared>>)
      tpu.yield
    }) : () -> ()
    %barrier3A_67 = arith.constant 0 : index
    tpu.barrier barrier_id(%barrier3A_67)
    %mul3A_68 = arith.constant 640 : i32
    %mul3A_69 = arith.muli %arg1, %mul3A_68 : i32
    %mul3A_70 = arith.constant 16 : i32
    %mul3A_71 = arith.muli %arg0, %mul3A_70 : i32
    %add3A_72 = arith.addi %mul3A_71, %arg1 : i32
    "tpu.region"() ({
      %run_scoped3A = tpu.sem_alloc : memref<!tpu.dma_semaphore, #tpu.memory_space<semaphore_mem>>
      %dma_start3A_73 = arith.constant 0 : i32
      %dma_start3A_74 = arith.constant 0 : i32
      %dma_start3A_75 = tpu.memref_slice %arg5[%add3A_72, %dma_start3A_73, %dma_start3A_74] : memref<32x640x128xbf16, #tpu.memory_space<hbm>> -> memref<1x640x128xbf16, #tpu.memory_space<hbm>>
      %dma_start3A_76 = tpu.memref_squeeze %dma_start3A_75 : memref<1x640x128xbf16, #tpu.memory_space<hbm>> -> memref<640x128xbf16, #tpu.memory_space<hbm>>
      %dma_start3A_77 = arith.constant 0 : i32
      %dma_start3A_78 = tpu.memref_slice %arg6[%mul3A_69, %dma_start3A_77] : memref<10240x128xbf16, #tpu.memory_space<vmem_shared>> -> memref<640x128xbf16, #tpu.memory_space<vmem_shared>>
      tpu.enqueue_dma source(%dma_start3A_78 : memref<640x128xbf16, #tpu.memory_space<vmem_shared>>) target(%dma_start3A_76 : memref<640x128xbf16, #tpu.memory_space<hbm>>) target_semaphore(%run_scoped3A : memref<!tpu.dma_semaphore, #tpu.memory_space<semaphore_mem>>)
      %dma_wait3A_79 = arith.constant 0 : i32
      %dma_wait3A_80 = arith.constant 0 : i32
      %dma_wait3A_81 = tpu.memref_slice %arg5[%add3A_72, %dma_wait3A_79, %dma_wait3A_80] : memref<32x640x128xbf16, #tpu.memory_space<hbm>> -> memref<1x640x128xbf16, #tpu.memory_space<hbm>>
      %dma_wait3A_82 = tpu.memref_squeeze %dma_wait3A_81 : memref<1x640x128xbf16, #tpu.memory_space<hbm>> -> memref<640x128xbf16, #tpu.memory_space<hbm>>
      %dma_wait3A_83 = arith.constant 0 : i32
      %dma_wait3A_84 = tpu.memref_slice %arg6[%mul3A_69, %dma_wait3A_83] : memref<10240x128xbf16, #tpu.memory_space<vmem_shared>> -> memref<640x128xbf16, #tpu.memory_space<vmem_shared>>
      tpu.wait_dma2 semaphore(%run_scoped3A : memref<!tpu.dma_semaphore, #tpu.memory_space<semaphore_mem>>) src(%dma_wait3A_84 : memref<640x128xbf16, #tpu.memory_space<vmem_shared>>) dst(%dma_wait3A_82 : memref<640x128xbf16, #tpu.memory_space<hbm>>)
      tpu.yield
    }) : () -> ()
    return
  }
}

#map = affine_map<(d0, d1) -> (0, 0)>
#map1 = affine_map<(d0, d1) -> (0, 0, 0)>
module attributes {stable_mosaic.version = 14 : i64} {
  func.func @_degree_body(%arg0: i32, %arg1: i32, %arg2: memref<64x10000xi32, #tpu.memory_space<hbm>>, %arg3: memref<10240x16xf32, #tpu.memory_space<hbm>>, %arg4: memref<2x10240x16xf32, #tpu.memory_space<hbm>>, %arg5: memref<10240x16xf32, #tpu.memory_space<vmem_shared>>, %arg6: memref<80x16xf32, #tpu.memory_space<vmem>>, %arg7: memref<10000xi32, #tpu.memory_space<vmem>>, %arg8: memref<80xi32, #tpu.memory_space<vmem>>, %arg9: memref<80xi32, #tpu.memory_space<vmem>>, %arg10: memref<!tpu.dma_semaphore, #tpu.memory_space<semaphore_mem>>, %arg11: memref<!tpu.dma_semaphore, #tpu.memory_space<semaphore_mem>>) attributes {dimension_semantics = [#tpu.dimension_semantics<core_parallel>, #tpu.dimension_semantics<subcore_parallel>], iteration_bounds = array<i64: 2, 16>, scalar_prefetch = 0 : i64, scratch_operands = 7 : i64, tpu.core_type = #tpu.core_type<sc_vector_subcore>, window_params = [{transform_indices = #map}, {transform_indices = #map}, {transform_indices = #map1}]} {
    %mul3A = arith.constant 16 : i32
    %mul3A_0 = arith.muli %arg0, %mul3A : i32
    %add3A = arith.addi %mul3A_0, %arg1 : i32
    %eq3A = arith.constant 0 : i32
    %eq3A_1 = arith.cmpi eq, %arg1, %eq3A : i32
    %convert_element_type3A = arith.extui %eq3A_1 : i1 to i32
    %cond3A = arith.constant 0 : i32
    %cond3A_2 = arith.cmpi ne, %convert_element_type3A, %cond3A : i32
    scf.if %cond3A_2 {
      "tpu.region"() ({
        %run_scoped3A = tpu.sem_alloc : memref<!tpu.dma_semaphore, #tpu.memory_space<semaphore_mem>>
        tpu.enqueue_dma source(%arg3 : memref<10240x16xf32, #tpu.memory_space<hbm>>) target(%arg5 : memref<10240x16xf32, #tpu.memory_space<vmem_shared>>) target_semaphore(%run_scoped3A : memref<!tpu.dma_semaphore, #tpu.memory_space<semaphore_mem>>)
        tpu.wait_dma2 semaphore(%run_scoped3A : memref<!tpu.dma_semaphore, #tpu.memory_space<semaphore_mem>>) src(%arg3 : memref<10240x16xf32, #tpu.memory_space<hbm>>) dst(%arg5 : memref<10240x16xf32, #tpu.memory_space<vmem_shared>>)
        tpu.yield
      }) : () -> ()
    } else {
    }
    %add3A_3 = arith.constant 32 : i32
    %add3A_4 = arith.addi %add3A_3, %add3A : i32
    "tpu.region"() ({
      %run_scoped3A = tpu.sem_alloc : memref<!tpu.dma_semaphore, #tpu.memory_space<semaphore_mem>>
      %dma_start3A_97 = arith.constant 0 : i32
      %dma_start3A_98 = tpu.memref_slice %arg2[%add3A_4, %dma_start3A_97] : memref<64x10000xi32, #tpu.memory_space<hbm>> -> memref<1x10000xi32, #tpu.memory_space<hbm>>
      %dma_start3A_99 = tpu.memref_squeeze %dma_start3A_98 : memref<1x10000xi32, #tpu.memory_space<hbm>> -> memref<10000xi32, #tpu.memory_space<hbm>>
      %dma_start3A_100 = arith.constant 0 : i32
      %dma_start3A_101 = tpu.memref_slice %arg2[%add3A_4, %dma_start3A_100] : memref<64x10000xi32, #tpu.memory_space<hbm>> -> memref<1x10000xi32, #tpu.memory_space<hbm>>
      %dma_start3A_102 = tpu.memref_squeeze %dma_start3A_101 : memref<1x10000xi32, #tpu.memory_space<hbm>> -> memref<10000xi32, #tpu.memory_space<hbm>>
      tpu.enqueue_dma source(%dma_start3A_102 : memref<10000xi32, #tpu.memory_space<hbm>>) target(%arg7 : memref<10000xi32, #tpu.memory_space<vmem>>) target_semaphore(%run_scoped3A : memref<!tpu.dma_semaphore, #tpu.memory_space<semaphore_mem>>)
      %dma_wait3A_103 = arith.constant 0 : i32
      %dma_wait3A_104 = tpu.memref_slice %arg2[%add3A_4, %dma_wait3A_103] : memref<64x10000xi32, #tpu.memory_space<hbm>> -> memref<1x10000xi32, #tpu.memory_space<hbm>>
      %dma_wait3A_105 = tpu.memref_squeeze %dma_wait3A_104 : memref<1x10000xi32, #tpu.memory_space<hbm>> -> memref<10000xi32, #tpu.memory_space<hbm>>
      %dma_wait3A_106 = arith.constant 0 : i32
      %dma_wait3A_107 = tpu.memref_slice %arg2[%add3A_4, %dma_wait3A_106] : memref<64x10000xi32, #tpu.memory_space<hbm>> -> memref<1x10000xi32, #tpu.memory_space<hbm>>
      %dma_wait3A_108 = tpu.memref_squeeze %dma_wait3A_107 : memref<1x10000xi32, #tpu.memory_space<hbm>> -> memref<10000xi32, #tpu.memory_space<hbm>>
      tpu.wait_dma2 semaphore(%run_scoped3A : memref<!tpu.dma_semaphore, #tpu.memory_space<semaphore_mem>>) src(%dma_wait3A_108 : memref<10000xi32, #tpu.memory_space<hbm>>) dst(%arg7 : memref<10000xi32, #tpu.memory_space<vmem>>)
      tpu.yield
    }) : () -> ()
    %broadcast_in_dim3A = arith.constant 1.000000e+00 : f32
    %broadcast_in_dim3A_5 = vector.broadcast %broadcast_in_dim3A : f32 to vector<16xf32>
    %scan3A = arith.constant 0 : i32
    %scan3A_6 = arith.constant 0 : i32
    %scan3A_7 = arith.constant 80 : i32
    %scan3A_8 = arith.addi %scan3A_6, %scan3A_7 : i32
    %scan3A_9 = arith.constant 1 : i32
    %scan3A_10 = scf.for %scan3A_97 = %scan3A_6 to %scan3A_8 step %scan3A_9 iter_args(%scan3A_98 = %scan3A) -> (i32)  : i32 {
      %swap3A_99 = arith.index_cast %scan3A_97 : i32 to index
      %swap3A_100 = arith.constant 0 : index
      %swap3A_101 = tpu.vector_load %arg6[%swap3A_99, %swap3A_100] {strides = array<i32>} : memref<80x16xf32, #tpu.memory_space<vmem>>, vector<1x16xf32>,
      %swap3A_102 = vector.shape_cast %swap3A_101 : vector<1x16xf32> to vector<16xf32>
      %swap3A_103 = vector.shape_cast %broadcast_in_dim3A_5 : vector<16xf32> to vector<1x16xf32>
      tpu.vector_store %arg6[%swap3A_99, %swap3A_100], %swap3A_103 {strides = array<i32>} : memref<80x16xf32, #tpu.memory_space<vmem>>, vector<1x16xf32>,
      %scan3A_104 = arith.constant 0 : i32
      scf.yield %scan3A_104 : i32
    }
    %scan3A_11 = arith.constant 80 : i32
    %barrier3A = arith.constant 0 : index
    tpu.barrier barrier_id(%barrier3A)
    %get3A = arith.constant 0 : index
    %get3A_12 = tpu.vector_load %arg7[%get3A] {strides = array<i32>} : memref<10000xi32, #tpu.memory_space<vmem>>, vector<16xi32>,
    %get3A_13 = vector.shape_cast %get3A_12 : vector<16xi32> to vector<16xi32>
    %swap3A = arith.constant 0 : index
    %swap3A_14 = tpu.vector_load %arg8[%swap3A] {strides = array<i32>} : memref<80xi32, #tpu.memory_space<vmem>>, vector<16xi32>,
    %swap3A_15 = vector.shape_cast %swap3A_14 : vector<16xi32> to vector<16xi32>
    %swap3A_16 = vector.shape_cast %get3A_13 : vector<16xi32> to vector<16xi32>
    tpu.vector_store %arg8[%swap3A], %swap3A_16 {strides = array<i32>} : memref<80xi32, #tpu.memory_space<vmem>>, vector<16xi32>,
    %get3A_17 = arith.constant 16 : index
    %get3A_18 = tpu.vector_load %arg7[%get3A_17] {strides = array<i32>} : memref<10000xi32, #tpu.memory_space<vmem>>, vector<16xi32>,
    %get3A_19 = vector.shape_cast %get3A_18 : vector<16xi32> to vector<16xi32>
    %swap3A_20 = arith.constant 16 : index
    %swap3A_21 = tpu.vector_load %arg8[%swap3A_20] {strides = array<i32>} : memref<80xi32, #tpu.memory_space<vmem>>, vector<16xi32>,
    %swap3A_22 = vector.shape_cast %swap3A_21 : vector<16xi32> to vector<16xi32>
    %swap3A_23 = vector.shape_cast %get3A_19 : vector<16xi32> to vector<16xi32>
    tpu.vector_store %arg8[%swap3A_20], %swap3A_23 {strides = array<i32>} : memref<80xi32, #tpu.memory_space<vmem>>, vector<16xi32>,
    %get3A_24 = arith.constant 32 : index
    %get3A_25 = tpu.vector_load %arg7[%get3A_24] {strides = array<i32>} : memref<10000xi32, #tpu.memory_space<vmem>>, vector<16xi32>,
    %get3A_26 = vector.shape_cast %get3A_25 : vector<16xi32> to vector<16xi32>
    %swap3A_27 = arith.constant 32 : index
    %swap3A_28 = tpu.vector_load %arg8[%swap3A_27] {strides = array<i32>} : memref<80xi32, #tpu.memory_space<vmem>>, vector<16xi32>,
    %swap3A_29 = vector.shape_cast %swap3A_28 : vector<16xi32> to vector<16xi32>
    %swap3A_30 = vector.shape_cast %get3A_26 : vector<16xi32> to vector<16xi32>
    tpu.vector_store %arg8[%swap3A_27], %swap3A_30 {strides = array<i32>} : memref<80xi32, #tpu.memory_space<vmem>>, vector<16xi32>,
    %get3A_31 = arith.constant 48 : index
    %get3A_32 = tpu.vector_load %arg7[%get3A_31] {strides = array<i32>} : memref<10000xi32, #tpu.memory_space<vmem>>, vector<16xi32>,
    %get3A_33 = vector.shape_cast %get3A_32 : vector<16xi32> to vector<16xi32>
    %swap3A_34 = arith.constant 48 : index
    %swap3A_35 = tpu.vector_load %arg8[%swap3A_34] {strides = array<i32>} : memref<80xi32, #tpu.memory_space<vmem>>, vector<16xi32>,
    %swap3A_36 = vector.shape_cast %swap3A_35 : vector<16xi32> to vector<16xi32>
    %swap3A_37 = vector.shape_cast %get3A_33 : vector<16xi32> to vector<16xi32>
    tpu.vector_store %arg8[%swap3A_34], %swap3A_37 {strides = array<i32>} : memref<80xi32, #tpu.memory_space<vmem>>, vector<16xi32>,
    %get3A_38 = arith.constant 64 : index
    %get3A_39 = tpu.vector_load %arg7[%get3A_38] {strides = array<i32>} : memref<10000xi32, #tpu.memory_space<vmem>>, vector<16xi32>,
    %get3A_40 = vector.shape_cast %get3A_39 : vector<16xi32> to vector<16xi32>
    %swap3A_41 = arith.constant 64 : index
    %swap3A_42 = tpu.vector_load %arg8[%swap3A_41] {strides = array<i32>} : memref<80xi32, #tpu.memory_space<vmem>>, vector<16xi32>,
    %swap3A_43 = vector.shape_cast %swap3A_42 : vector<16xi32> to vector<16xi32>
    %swap3A_44 = vector.shape_cast %get3A_40 : vector<16xi32> to vector<16xi32>
    tpu.vector_store %arg8[%swap3A_41], %swap3A_44 {strides = array<i32>} : memref<80xi32, #tpu.memory_space<vmem>>, vector<16xi32>,
    %dma_start3A = arith.constant 0 : i32
    %dma_start3A_45 = arith.constant 0 : i32
    %dma_start3A_46 = tpu.memref_slice %arg5[%dma_start3A, %dma_start3A_45] : memref<10240x16xf32, #tpu.memory_space<vmem_shared>> -> memref<10240x16xf32, #tpu.memory_space<vmem_shared>>
    tpu.enqueue_indirect_dma source(%arg6 : memref<80x16xf32, #tpu.memory_space<vmem>>) target(%dma_start3A_46 : memref<10240x16xf32, #tpu.memory_space<vmem_shared>>) offsets(%arg8 : memref<80xi32, #tpu.memory_space<vmem>>) semaphore(%arg10 : memref<!tpu.dma_semaphore, #tpu.memory_space<semaphore_mem>>) {add = true}
    %get3A_47 = arith.constant 80 : index
    %get3A_48 = tpu.vector_load %arg7[%get3A_47] {strides = array<i32>} : memref<10000xi32, #tpu.memory_space<vmem>>, vector<16xi32>,
    %get3A_49 = vector.shape_cast %get3A_48 : vector<16xi32> to vector<16xi32>
    %swap3A_50 = arith.constant 0 : index
    %swap3A_51 = tpu.vector_load %arg9[%swap3A_50] {strides = array<i32>} : memref<80xi32, #tpu.memory_space<vmem>>, vector<16xi32>,
    %swap3A_52 = vector.shape_cast %swap3A_51 : vector<16xi32> to vector<16xi32>
    %swap3A_53 = vector.shape_cast %get3A_49 : vector<16xi32> to vector<16xi32>
    tpu.vector_store %arg9[%swap3A_50], %swap3A_53 {strides = array<i32>} : memref<80xi32, #tpu.memory_space<vmem>>, vector<16xi32>,
    %get3A_54 = arith.constant 96 : index
    %get3A_55 = tpu.vector_load %arg7[%get3A_54] {strides = array<i32>} : memref<10000xi32, #tpu.memory_space<vmem>>, vector<16xi32>,
    %get3A_56 = vector.shape_cast %get3A_55 : vector<16xi32> to vector<16xi32>
    %swap3A_57 = arith.constant 16 : index
    %swap3A_58 = tpu.vector_load %arg9[%swap3A_57] {strides = array<i32>} : memref<80xi32, #tpu.memory_space<vmem>>, vector<16xi32>,
    %swap3A_59 = vector.shape_cast %swap3A_58 : vector<16xi32> to vector<16xi32>
    %swap3A_60 = vector.shape_cast %get3A_56 : vector<16xi32> to vector<16xi32>
    tpu.vector_store %arg9[%swap3A_57], %swap3A_60 {strides = array<i32>} : memref<80xi32, #tpu.memory_space<vmem>>, vector<16xi32>,
    %get3A_61 = arith.constant 112 : index
    %get3A_62 = tpu.vector_load %arg7[%get3A_61] {strides = array<i32>} : memref<10000xi32, #tpu.memory_space<vmem>>, vector<16xi32>,
    %get3A_63 = vector.shape_cast %get3A_62 : vector<16xi32> to vector<16xi32>
    %swap3A_64 = arith.constant 32 : index
    %swap3A_65 = tpu.vector_load %arg9[%swap3A_64] {strides = array<i32>} : memref<80xi32, #tpu.memory_space<vmem>>, vector<16xi32>,
    %swap3A_66 = vector.shape_cast %swap3A_65 : vector<16xi32> to vector<16xi32>
    %swap3A_67 = vector.shape_cast %get3A_63 : vector<16xi32> to vector<16xi32>
    tpu.vector_store %arg9[%swap3A_64], %swap3A_67 {strides = array<i32>} : memref<80xi32, #tpu.memory_space<vmem>>, vector<16xi32>,
    %get3A_68 = arith.constant 128 : index
    %get3A_69 = tpu.vector_load %arg7[%get3A_68] {strides = array<i32>} : memref<10000xi32, #tpu.memory_space<vmem>>, vector<16xi32>,
    %get3A_70 = vector.shape_cast %get3A_69 : vector<16xi32> to vector<16xi32>
    %swap3A_71 = arith.constant 48 : index
    %swap3A_72 = tpu.vector_load %arg9[%swap3A_71] {strides = array<i32>} : memref<80xi32, #tpu.memory_space<vmem>>, vector<16xi32>,
    %swap3A_73 = vector.shape_cast %swap3A_72 : vector<16xi32> to vector<16xi32>
    %swap3A_74 = vector.shape_cast %get3A_70 : vector<16xi32> to vector<16xi32>
    tpu.vector_store %arg9[%swap3A_71], %swap3A_74 {strides = array<i32>} : memref<80xi32, #tpu.memory_space<vmem>>, vector<16xi32>,
    %get3A_75 = arith.constant 144 : index
    %get3A_76 = tpu.vector_load %arg7[%get3A_75] {strides = array<i32>} : memref<10000xi32, #tpu.memory_space<vmem>>, vector<16xi32>,
    %get3A_77 = vector.shape_cast %get3A_76 : vector<16xi32> to vector<16xi32>
    %swap3A_78 = arith.constant 64 : index
    %swap3A_79 = tpu.vector_load %arg9[%swap3A_78] {strides = array<i32>} : memref<80xi32, #tpu.memory_space<vmem>>, vector<16xi32>,
    %swap3A_80 = vector.shape_cast %swap3A_79 : vector<16xi32> to vector<16xi32>
    %swap3A_81 = vector.shape_cast %get3A_77 : vector<16xi32> to vector<16xi32>
    tpu.vector_store %arg9[%swap3A_78], %swap3A_81 {strides = array<i32>} : memref<80xi32, #tpu.memory_space<vmem>>, vector<16xi32>,
    %dma_start3A_82 = arith.constant 0 : i32
    %dma_start3A_83 = arith.constant 0 : i32
    %dma_start3A_84 = tpu.memref_slice %arg5[%dma_start3A_82, %dma_start3A_83] : memref<10240x16xf32, #tpu.memory_space<vmem_shared>> -> memref<10240x16xf32, #tpu.memory_space<vmem_shared>>
    tpu.enqueue_indirect_dma source(%arg6 : memref<80x16xf32, #tpu.memory_space<vmem>>) target(%dma_start3A_84 : memref<10240x16xf32, #tpu.memory_space<vmem_shared>>) offsets(%arg9 : memref<80xi32, #tpu.memory_space<vmem>>) semaphore(%arg11 : memref<!tpu.dma_semaphore, #tpu.memory_space<semaphore_mem>>) {add = true}
    %scan3A_85 = arith.constant 0 : i32
    %scan3A_86 = arith.constant 0 : i32
    %scan3A_87 = arith.constant 62 : i32
    %scan3A_88 = arith.addi %scan3A_86, %scan3A_87 : i32
    %scan3A_89 = arith.constant 1 : i32
    %scan3A_90 = scf.for %scan3A_97 = %scan3A_86 to %scan3A_88 step %scan3A_89 iter_args(%scan3A_98 = %scan3A_85) -> (i32)  : i32 {
      %mul3A_99 = arith.constant 2 : i32
      %mul3A_100 = arith.muli %mul3A_99, %scan3A_97 : i32
      %add3A_101 = arith.constant 1 : i32
      %add3A_102 = arith.addi %mul3A_100, %add3A_101 : i32
      %dma_wait3A_103 = arith.constant 0 : i32
      %dma_wait3A_104 = arith.constant 0 : i32
      %dma_wait3A_105 = tpu.memref_slice %arg5[%dma_wait3A_103, %dma_wait3A_104] : memref<10240x16xf32, #tpu.memory_space<vmem_shared>> -> memref<10240x16xf32, #tpu.memory_space<vmem_shared>>
      tpu.wait_indirect_dma semaphore(%arg10 : memref<!tpu.dma_semaphore, #tpu.memory_space<semaphore_mem>>) src(%arg6 : memref<80x16xf32, #tpu.memory_space<vmem>>) dst(%dma_wait3A_105 : memref<10240x16xf32, #tpu.memory_space<vmem_shared>>)
      %add3A_106 = arith.constant 2 : i32
      %add3A_107 = arith.addi %mul3A_100, %add3A_106 : i32
      %mul3A_108 = arith.constant 80 : i32
      %mul3A_109 = arith.muli %add3A_107, %mul3A_108 : i32
      %add3A_110 = arith.constant 0 : i32
      %add3A_111 = arith.addi %mul3A_109, %add3A_110 : i32
      %get3A_112 = arith.index_cast %add3A_111 : i32 to index
      %get3A_113 = tpu.vector_load %arg7[%get3A_112] {strides = array<i32>} : memref<10000xi32, #tpu.memory_space<vmem>>, vector<16xi32>,
      %get3A_114 = vector.shape_cast %get3A_113 : vector<16xi32> to vector<16xi32>
      %swap3A_115 = arith.constant 0 : index
      %swap3A_116 = tpu.vector_load %arg8[%swap3A_115] {strides = array<i32>} : memref<80xi32, #tpu.memory_space<vmem>>, vector<16xi32>,
      %swap3A_117 = vector.shape_cast %swap3A_116 : vector<16xi32> to vector<16xi32>
      %swap3A_118 = vector.shape_cast %get3A_114 : vector<16xi32> to vector<16xi32>
      tpu.vector_store %arg8[%swap3A_115], %swap3A_118 {strides = array<i32>} : memref<80xi32, #tpu.memory_space<vmem>>, vector<16xi32>,
      %add3A_119 = arith.constant 16 : i32
      %add3A_120 = arith.addi %mul3A_109, %add3A_119 : i32
      %get3A_121 = arith.index_cast %add3A_120 : i32 to index
      %get3A_122 = tpu.vector_load %arg7[%get3A_121] {strides = array<i32>} : memref<10000xi32, #tpu.memory_space<vmem>>, vector<16xi32>,
      %get3A_123 = vector.shape_cast %get3A_122 : vector<16xi32> to vector<16xi32>
      %swap3A_124 = arith.constant 16 : index
      %swap3A_125 = tpu.vector_load %arg8[%swap3A_124] {strides = array<i32>} : memref<80xi32, #tpu.memory_space<vmem>>, vector<16xi32>,
      %swap3A_126 = vector.shape_cast %swap3A_125 : vector<16xi32> to vector<16xi32>
      %swap3A_127 = vector.shape_cast %get3A_123 : vector<16xi32> to vector<16xi32>
      tpu.vector_store %arg8[%swap3A_124], %swap3A_127 {strides = array<i32>} : memref<80xi32, #tpu.memory_space<vmem>>, vector<16xi32>,
      %add3A_128 = arith.constant 32 : i32
      %add3A_129 = arith.addi %mul3A_109, %add3A_128 : i32
      %get3A_130 = arith.index_cast %add3A_129 : i32 to index
      %get3A_131 = tpu.vector_load %arg7[%get3A_130] {strides = array<i32>} : memref<10000xi32, #tpu.memory_space<vmem>>, vector<16xi32>,
      %get3A_132 = vector.shape_cast %get3A_131 : vector<16xi32> to vector<16xi32>
      %swap3A_133 = arith.constant 32 : index
      %swap3A_134 = tpu.vector_load %arg8[%swap3A_133] {strides = array<i32>} : memref<80xi32, #tpu.memory_space<vmem>>, vector<16xi32>,
      %swap3A_135 = vector.shape_cast %swap3A_134 : vector<16xi32> to vector<16xi32>
      %swap3A_136 = vector.shape_cast %get3A_132 : vector<16xi32> to vector<16xi32>
      tpu.vector_store %arg8[%swap3A_133], %swap3A_136 {strides = array<i32>} : memref<80xi32, #tpu.memory_space<vmem>>, vector<16xi32>,
      %add3A_137 = arith.constant 48 : i32
      %add3A_138 = arith.addi %mul3A_109, %add3A_137 : i32
      %get3A_139 = arith.index_cast %add3A_138 : i32 to index
      %get3A_140 = tpu.vector_load %arg7[%get3A_139] {strides = array<i32>} : memref<10000xi32, #tpu.memory_space<vmem>>, vector<16xi32>,
      %get3A_141 = vector.shape_cast %get3A_140 : vector<16xi32> to vector<16xi32>
      %swap3A_142 = arith.constant 48 : index
      %swap3A_143 = tpu.vector_load %arg8[%swap3A_142] {strides = array<i32>} : memref<80xi32, #tpu.memory_space<vmem>>, vector<16xi32>,
      %swap3A_144 = vector.shape_cast %swap3A_143 : vector<16xi32> to vector<16xi32>
      %swap3A_145 = vector.shape_cast %get3A_141 : vector<16xi32> to vector<16xi32>
      tpu.vector_store %arg8[%swap3A_142], %swap3A_145 {strides = array<i32>} : memref<80xi32, #tpu.memory_space<vmem>>, vector<16xi32>,
      %add3A_146 = arith.constant 64 : i32
      %add3A_147 = arith.addi %mul3A_109, %add3A_146 : i32
      %get3A_148 = arith.index_cast %add3A_147 : i32 to index
      %get3A_149 = tpu.vector_load %arg7[%get3A_148] {strides = array<i32>} : memref<10000xi32, #tpu.memory_space<vmem>>, vector<16xi32>,
      %get3A_150 = vector.shape_cast %get3A_149 : vector<16xi32> to vector<16xi32>
      %swap3A_151 = arith.constant 64 : index
      %swap3A_152 = tpu.vector_load %arg8[%swap3A_151] {strides = array<i32>} : memref<80xi32, #tpu.memory_space<vmem>>, vector<16xi32>,
      %swap3A_153 = vector.shape_cast %swap3A_152 : vector<16xi32> to vector<16xi32>
      %swap3A_154 = vector.shape_cast %get3A_150 : vector<16xi32> to vector<16xi32>
      tpu.vector_store %arg8[%swap3A_151], %swap3A_154 {strides = array<i32>} : memref<80xi32, #tpu.memory_space<vmem>>, vector<16xi32>,
      %dma_start3A_155 = arith.constant 0 : i32
      %dma_start3A_156 = arith.constant 0 : i32
      %dma_start3A_157 = tpu.memref_slice %arg5[%dma_start3A_155, %dma_start3A_156] : memref<10240x16xf32, #tpu.memory_space<vmem_shared>> -> memref<10240x16xf32, #tpu.memory_space<vmem_shared>>
      tpu.enqueue_indirect_dma source(%arg6 : memref<80x16xf32, #tpu.memory_space<vmem>>) target(%dma_start3A_157 : memref<10240x16xf32, #tpu.memory_space<vmem_shared>>) offsets(%arg8 : memref<80xi32, #tpu.memory_space<vmem>>) semaphore(%arg10 : memref<!tpu.dma_semaphore, #tpu.memory_space<semaphore_mem>>) {add = true}
      %dma_wait3A_158 = arith.constant 0 : i32
      %dma_wait3A_159 = arith.constant 0 : i32
      %dma_wait3A_160 = tpu.memref_slice %arg5[%dma_wait3A_158, %dma_wait3A_159] : memref<10240x16xf32, #tpu.memory_space<vmem_shared>> -> memref<10240x16xf32, #tpu.memory_space<vmem_shared>>
      tpu.wait_indirect_dma semaphore(%arg11 : memref<!tpu.dma_semaphore, #tpu.memory_space<semaphore_mem>>) src(%arg6 : memref<80x16xf32, #tpu.memory_space<vmem>>) dst(%dma_wait3A_160 : memref<10240x16xf32, #tpu.memory_space<vmem_shared>>)
      %add3A_161 = arith.constant 2 : i32
      %add3A_162 = arith.addi %add3A_102, %add3A_161 : i32
      %lt3A = arith.constant 125 : i32
      %lt3A_163 = arith.cmpi slt, %add3A_162, %lt3A : i32
      %convert_element_type3A_164 = arith.extui %lt3A_163 : i1 to i32
      %cond3A_165 = arith.constant 0 : i32
      %cond3A_166 = arith.cmpi ne, %convert_element_type3A_164, %cond3A_165 : i32
      scf.if %cond3A_166 {
        %add3A_168 = arith.constant 2 : i32
        %add3A_169 = arith.addi %add3A_102, %add3A_168 : i32
        %mul3A_170 = arith.constant 80 : i32
        %mul3A_171 = arith.muli %add3A_169, %mul3A_170 : i32
        %add3A_172 = arith.constant 0 : i32
        %add3A_173 = arith.addi %mul3A_171, %add3A_172 : i32
        %get3A_174 = arith.index_cast %add3A_173 : i32 to index
        %get3A_175 = tpu.vector_load %arg7[%get3A_174] {strides = array<i32>} : memref<10000xi32, #tpu.memory_space<vmem>>, vector<16xi32>,
        %get3A_176 = vector.shape_cast %get3A_175 : vector<16xi32> to vector<16xi32>
        %swap3A_177 = arith.constant 0 : index
        %swap3A_178 = tpu.vector_load %arg9[%swap3A_177] {strides = array<i32>} : memref<80xi32, #tpu.memory_space<vmem>>, vector<16xi32>,
        %swap3A_179 = vector.shape_cast %swap3A_178 : vector<16xi32> to vector<16xi32>
        %swap3A_180 = vector.shape_cast %get3A_176 : vector<16xi32> to vector<16xi32>
        tpu.vector_store %arg9[%swap3A_177], %swap3A_180 {strides = array<i32>} : memref<80xi32, #tpu.memory_space<vmem>>, vector<16xi32>,
        %add3A_181 = arith.constant 16 : i32
        %add3A_182 = arith.addi %mul3A_171, %add3A_181 : i32
        %get3A_183 = arith.index_cast %add3A_182 : i32 to index
        %get3A_184 = tpu.vector_load %arg7[%get3A_183] {strides = array<i32>} : memref<10000xi32, #tpu.memory_space<vmem>>, vector<16xi32>,
        %get3A_185 = vector.shape_cast %get3A_184 : vector<16xi32> to vector<16xi32>
        %swap3A_186 = arith.constant 16 : index
        %swap3A_187 = tpu.vector_load %arg9[%swap3A_186] {strides = array<i32>} : memref<80xi32, #tpu.memory_space<vmem>>, vector<16xi32>,
        %swap3A_188 = vector.shape_cast %swap3A_187 : vector<16xi32> to vector<16xi32>
        %swap3A_189 = vector.shape_cast %get3A_185 : vector<16xi32> to vector<16xi32>
        tpu.vector_store %arg9[%swap3A_186], %swap3A_189 {strides = array<i32>} : memref<80xi32, #tpu.memory_space<vmem>>, vector<16xi32>,
        %add3A_190 = arith.constant 32 : i32
        %add3A_191 = arith.addi %mul3A_171, %add3A_190 : i32
        %get3A_192 = arith.index_cast %add3A_191 : i32 to index
        %get3A_193 = tpu.vector_load %arg7[%get3A_192] {strides = array<i32>} : memref<10000xi32, #tpu.memory_space<vmem>>, vector<16xi32>,
        %get3A_194 = vector.shape_cast %get3A_193 : vector<16xi32> to vector<16xi32>
        %swap3A_195 = arith.constant 32 : index
        %swap3A_196 = tpu.vector_load %arg9[%swap3A_195] {strides = array<i32>} : memref<80xi32, #tpu.memory_space<vmem>>, vector<16xi32>,
        %swap3A_197 = vector.shape_cast %swap3A_196 : vector<16xi32> to vector<16xi32>
        %swap3A_198 = vector.shape_cast %get3A_194 : vector<16xi32> to vector<16xi32>
        tpu.vector_store %arg9[%swap3A_195], %swap3A_198 {strides = array<i32>} : memref<80xi32, #tpu.memory_space<vmem>>, vector<16xi32>,
        %add3A_199 = arith.constant 48 : i32
        %add3A_200 = arith.addi %mul3A_171, %add3A_199 : i32
        %get3A_201 = arith.index_cast %add3A_200 : i32 to index
        %get3A_202 = tpu.vector_load %arg7[%get3A_201] {strides = array<i32>} : memref<10000xi32, #tpu.memory_space<vmem>>, vector<16xi32>,
        %get3A_203 = vector.shape_cast %get3A_202 : vector<16xi32> to vector<16xi32>
        %swap3A_204 = arith.constant 48 : index
        %swap3A_205 = tpu.vector_load %arg9[%swap3A_204] {strides = array<i32>} : memref<80xi32, #tpu.memory_space<vmem>>, vector<16xi32>,
        %swap3A_206 = vector.shape_cast %swap3A_205 : vector<16xi32> to vector<16xi32>
        %swap3A_207 = vector.shape_cast %get3A_203 : vector<16xi32> to vector<16xi32>
        tpu.vector_store %arg9[%swap3A_204], %swap3A_207 {strides = array<i32>} : memref<80xi32, #tpu.memory_space<vmem>>, vector<16xi32>,
        %add3A_208 = arith.constant 64 : i32
        %add3A_209 = arith.addi %mul3A_171, %add3A_208 : i32
        %get3A_210 = arith.index_cast %add3A_209 : i32 to index
        %get3A_211 = tpu.vector_load %arg7[%get3A_210] {strides = array<i32>} : memref<10000xi32, #tpu.memory_space<vmem>>, vector<16xi32>,
        %get3A_212 = vector.shape_cast %get3A_211 : vector<16xi32> to vector<16xi32>
        %swap3A_213 = arith.constant 64 : index
        %swap3A_214 = tpu.vector_load %arg9[%swap3A_213] {strides = array<i32>} : memref<80xi32, #tpu.memory_space<vmem>>, vector<16xi32>,
        %swap3A_215 = vector.shape_cast %swap3A_214 : vector<16xi32> to vector<16xi32>
        %swap3A_216 = vector.shape_cast %get3A_212 : vector<16xi32> to vector<16xi32>
        tpu.vector_store %arg9[%swap3A_213], %swap3A_216 {strides = array<i32>} : memref<80xi32, #tpu.memory_space<vmem>>, vector<16xi32>,
        %dma_start3A_217 = arith.constant 0 : i32
        %dma_start3A_218 = arith.constant 0 : i32
        %dma_start3A_219 = tpu.memref_slice %arg5[%dma_start3A_217, %dma_start3A_218] : memref<10240x16xf32, #tpu.memory_space<vmem_shared>> -> memref<10240x16xf32, #tpu.memory_space<vmem_shared>>
        tpu.enqueue_indirect_dma source(%arg6 : memref<80x16xf32, #tpu.memory_space<vmem>>) target(%dma_start3A_219 : memref<10240x16xf32, #tpu.memory_space<vmem_shared>>) offsets(%arg9 : memref<80xi32, #tpu.memory_space<vmem>>) semaphore(%arg11 : memref<!tpu.dma_semaphore, #tpu.memory_space<semaphore_mem>>) {add = true}
      } else {
      }
      %scan3A_167 = arith.constant 0 : i32
      scf.yield %scan3A_167 : i32
    }
    %scan3A_91 = arith.constant 62 : i32
    %dma_wait3A = arith.constant 0 : i32
    %dma_wait3A_92 = arith.constant 0 : i32
    %dma_wait3A_93 = tpu.memref_slice %arg5[%dma_wait3A, %dma_wait3A_92] : memref<10240x16xf32, #tpu.memory_space<vmem_shared>> -> memref<10240x16xf32, #tpu.memory_space<vmem_shared>>
    tpu.wait_indirect_dma semaphore(%arg10 : memref<!tpu.dma_semaphore, #tpu.memory_space<semaphore_mem>>) src(%arg6 : memref<80x16xf32, #tpu.memory_space<vmem>>) dst(%dma_wait3A_93 : memref<10240x16xf32, #tpu.memory_space<vmem_shared>>)
    %barrier3A_94 = arith.constant 0 : index
    tpu.barrier barrier_id(%barrier3A_94)
    %mul3A_95 = arith.constant 640 : i32
    %mul3A_96 = arith.muli %arg1, %mul3A_95 : i32
    "tpu.region"() ({
      %run_scoped3A = tpu.sem_alloc : memref<!tpu.dma_semaphore, #tpu.memory_space<semaphore_mem>>
      %dma_start3A_97 = arith.constant 0 : i32
      %dma_start3A_98 = tpu.memref_slice %arg4[%arg0, %mul3A_96, %dma_start3A_97] : memref<2x10240x16xf32, #tpu.memory_space<hbm>> -> memref<1x640x16xf32, #tpu.memory_space<hbm>>
      %dma_start3A_99 = tpu.memref_squeeze %dma_start3A_98 : memref<1x640x16xf32, #tpu.memory_space<hbm>> -> memref<640x16xf32, #tpu.memory_space<hbm>>
      %dma_start3A_100 = arith.constant 0 : i32
      %dma_start3A_101 = tpu.memref_slice %arg5[%mul3A_96, %dma_start3A_100] : memref<10240x16xf32, #tpu.memory_space<vmem_shared>> -> memref<640x16xf32, #tpu.memory_space<vmem_shared>>
      tpu.enqueue_dma source(%dma_start3A_101 : memref<640x16xf32, #tpu.memory_space<vmem_shared>>) target(%dma_start3A_99 : memref<640x16xf32, #tpu.memory_space<hbm>>) target_semaphore(%run_scoped3A : memref<!tpu.dma_semaphore, #tpu.memory_space<semaphore_mem>>)
      %dma_wait3A_102 = arith.constant 0 : i32
      %dma_wait3A_103 = tpu.memref_slice %arg4[%arg0, %mul3A_96, %dma_wait3A_102] : memref<2x10240x16xf32, #tpu.memory_space<hbm>> -> memref<1x640x16xf32, #tpu.memory_space<hbm>>
      %dma_wait3A_104 = tpu.memref_squeeze %dma_wait3A_103 : memref<1x640x16xf32, #tpu.memory_space<hbm>> -> memref<640x16xf32, #tpu.memory_space<hbm>>
      %dma_wait3A_105 = arith.constant 0 : i32
      %dma_wait3A_106 = tpu.memref_slice %arg5[%mul3A_96, %dma_wait3A_105] : memref<10240x16xf32, #tpu.memory_space<vmem_shared>> -> memref<640x16xf32, #tpu.memory_space<vmem_shared>>
      tpu.wait_dma2 semaphore(%run_scoped3A : memref<!tpu.dma_semaphore, #tpu.memory_space<semaphore_mem>>) src(%dma_wait3A_106 : memref<640x16xf32, #tpu.memory_space<vmem_shared>>) dst(%dma_wait3A_104 : memref<640x16xf32, #tpu.memory_space<hbm>>)
      tpu.yield
    }) : () -> ()
    return
  }
}

module attributes {stable_mosaic.version = 14 : i64} {
  func.func @_prepass_body(%arg0: i32, %arg1: memref<1000x128xf32, #tpu.memory_space<vmem>>, %arg2: memref<2x1000x16xf32, #tpu.memory_space<vmem>>, %arg3: memref<1000x128xbf16, #tpu.memory_space<vmem>>) attributes {dimension_semantics = [#tpu.dimension_semantics<arbitrary>], iteration_bounds = array<i64: 10>, scalar_prefetch = 0 : i64, scratch_operands = 0 : i64, tpu.core_type = #tpu.core_type<tc>, window_params = [{transform_indices = @transform_0, window_bounds = array<i64: 1000, 128>}, {transform_indices = @transform_1, window_bounds = array<i64: 2, 1000, 16>}, {transform_indices = @transform_2, window_bounds = array<i64: 1000, 128>}]} {
    %get3A = arith.constant 0 : index
    %get3A_0 = arith.constant 0 : index
    %get3A_1 = arith.constant 0 : index
    %get3A_2 = vector.load %arg2[%get3A, %get3A_0, %get3A_1] : memref<2x1000x16xf32, #tpu.memory_space<vmem>>, vector<1x1000x16xf32>
    %get3A_3 = vector.shape_cast %get3A_2 : vector<1x1000x16xf32> to vector<1000x16xf32>
    %get3A_4 = arith.constant 1 : index
    %get3A_5 = arith.constant 0 : index
    %get3A_6 = arith.constant 0 : index
    %get3A_7 = vector.load %arg2[%get3A_4, %get3A_5, %get3A_6] : memref<2x1000x16xf32, #tpu.memory_space<vmem>>, vector<1x1000x16xf32>
    %get3A_8 = vector.shape_cast %get3A_7 : vector<1x1000x16xf32> to vector<1000x16xf32>
    %add3A = arith.addf %get3A_3, %get3A_8 : vector<1000x16xf32>
    %slice3A = vector.extract_strided_slice %add3A {offsets = [0, 0], sizes = [1000, 1], strides = [1, 1]} : vector<1000x16xf32> to vector<1000x1xf32>
    %gt3A = arith.constant 5.000000e-01 : f32
    %gt3A_9 = vector.broadcast %gt3A : f32 to vector<1000x1xf32>
    %gt3A_10 = arith.cmpf ogt, %slice3A, %gt3A_9 : vector<1000x1xf32>
    %max3A = arith.constant 9.99999996E-13 : f32
    %max3A_11 = vector.broadcast %max3A : f32 to vector<1000x1xf32>
    %max3A_12 = arith.maximumf %slice3A, %max3A_11 : vector<1000x1xf32>
    %rsqrt3A = math.rsqrt %max3A_12 : vector<1000x1xf32>
    %jit3A = arith.constant 0.000000e+00 : f32
    %broadcast_in_dim3A = vector.broadcast %jit3A : f32 to vector<1000x1xf32>
    %select_n3A = arith.select %gt3A_10, %rsqrt3A, %broadcast_in_dim3A : vector<1000x1xi1>, vector<1000x1xf32>
    %get3A_13 = arith.constant 0 : index
    %get3A_14 = arith.constant 0 : index
    %get3A_15 = vector.load %arg1[%get3A_13, %get3A_14] : memref<1000x128xf32, #tpu.memory_space<vmem>>, vector<1000x128xf32>
    %mul3A = vector.broadcast %select_n3A : vector<1000x1xf32> to vector<1000x128xf32>
    %mul3A_16 = arith.mulf %get3A_15, %mul3A : vector<1000x128xf32>
    %convert_element_type3A = arith.truncf %mul3A_16 : vector<1000x128xf32> to vector<1000x128xbf16>
    %swap3A = arith.constant 0 : index
    %swap3A_17 = arith.constant 0 : index
    %swap3A_18 = vector.load %arg3[%swap3A, %swap3A_17] : memref<1000x128xbf16, #tpu.memory_space<vmem>>, vector<1000x128xbf16>
    tpu.vector_store %arg3[%swap3A, %swap3A_17], %convert_element_type3A {strides = array<i32>} : memref<1000x128xbf16, #tpu.memory_space<vmem>>, vector<1000x128xbf16>,
    return
  }
  func.func @transform_0(%arg0: i32) -> (i32, i32) {
    %c0_i32 = arith.constant 0 : i32
    %c0_i32_0 = arith.constant 0 : i32
    return %arg0, %c0_i32 : i32, i32
  }
  func.func @transform_1(%arg0: i32) -> (i32, i32, i32) {
    %c0_i32 = arith.constant 0 : i32
    %c0_i32_0 = arith.constant 0 : i32
    %c0_i32_1 = arith.constant 0 : i32
    return %c0_i32, %arg0, %c0_i32_0 : i32, i32, i32
  }
  func.func @transform_2(%arg0: i32) -> (i32, i32) {
    %c0_i32 = arith.constant 0 : i32
    %c0_i32_0 = arith.constant 0 : i32
    return %arg0, %c0_i32 : i32, i32
  }
}

module attributes {stable_mosaic.version = 14 : i64} {
  func.func @_final_body(%arg0: i32, %arg1: memref<1024x128xf32, #tpu.memory_space<vmem>>, %arg2: memref<128x128xf32, #tpu.memory_space<vmem>>, %arg3: memref<1x128xf32, #tpu.memory_space<vmem>>, %arg4: memref<2x1024x16xf32, #tpu.memory_space<vmem>>, %arg5: memref<131072xbf16, #tpu.memory_space<vmem>>, %arg6: memref<131072xbf16, #tpu.memory_space<vmem>>, %arg7: memref<1024x128xf32, #tpu.memory_space<vmem>>) attributes {dimension_semantics = [#tpu.dimension_semantics<arbitrary>], iteration_bounds = array<i64: 10>, scalar_prefetch = 0 : i64, scratch_operands = 0 : i64, tpu.core_type = #tpu.core_type<tc>, window_params = [{transform_indices = @transform_0, window_bounds = array<i64: 1024, 128>}, {pipeline_mode = #tpu.pipeline_mode<synchronous>, transform_indices = @transform_1, window_bounds = array<i64: 128, 128>}, {pipeline_mode = #tpu.pipeline_mode<synchronous>, transform_indices = @transform_2, window_bounds = array<i64: 1, 128>}, {transform_indices = @transform_3, window_bounds = array<i64: 2, 1024, 16>}, {transform_indices = @transform_4, window_bounds = array<i64: 131072>}, {transform_indices = @transform_5, window_bounds = array<i64: 131072>}, {transform_indices = @transform_6, window_bounds = array<i64: 1024, 128>}]} {
    %get3A = arith.constant 0 : index
    %get3A_0 = arith.constant 0 : index
    %get3A_1 = arith.constant 0 : index
    %get3A_2 = vector.load %arg4[%get3A, %get3A_0, %get3A_1] : memref<2x1024x16xf32, #tpu.memory_space<vmem>>, vector<1x1024x16xf32>
    %get3A_3 = vector.shape_cast %get3A_2 : vector<1x1024x16xf32> to vector<1024x16xf32>
    %get3A_4 = arith.constant 1 : index
    %get3A_5 = arith.constant 0 : index
    %get3A_6 = arith.constant 0 : index
    %get3A_7 = vector.load %arg4[%get3A_4, %get3A_5, %get3A_6] : memref<2x1024x16xf32, #tpu.memory_space<vmem>>, vector<1x1024x16xf32>
    %get3A_8 = vector.shape_cast %get3A_7 : vector<1x1024x16xf32> to vector<1024x16xf32>
    %add3A = arith.addf %get3A_3, %get3A_8 : vector<1024x16xf32>
    %slice3A = vector.extract_strided_slice %add3A {offsets = [0, 0], sizes = [1024, 1], strides = [1, 1]} : vector<1024x16xf32> to vector<1024x1xf32>
    %gt3A = arith.constant 5.000000e-01 : f32
    %gt3A_9 = vector.broadcast %gt3A : f32 to vector<1024x1xf32>
    %gt3A_10 = arith.cmpf ogt, %slice3A, %gt3A_9 : vector<1024x1xf32>
    %max3A = arith.constant 9.99999996E-13 : f32
    %max3A_11 = vector.broadcast %max3A : f32 to vector<1024x1xf32>
    %max3A_12 = arith.maximumf %slice3A, %max3A_11 : vector<1024x1xf32>
    %rsqrt3A = math.rsqrt %max3A_12 : vector<1024x1xf32>
    %jit3A = arith.constant 0.000000e+00 : f32
    %broadcast_in_dim3A = vector.broadcast %jit3A : f32 to vector<1024x1xf32>
    %select_n3A = arith.select %gt3A_10, %rsqrt3A, %broadcast_in_dim3A : vector<1024x1xi1>, vector<1024x1xf32>
    %get3A_13 = arith.constant 0 : index
    %get3A_14 = vector.load %arg5[%get3A_13] : memref<131072xbf16, #tpu.memory_space<vmem>>, vector<131072xbf16>
    %convert_element_type3A = arith.extf %get3A_14 : vector<131072xbf16> to vector<131072xf32>
    %reshape3A = vector.shape_cast %convert_element_type3A : vector<131072xf32> to vector<1024x128xf32>
    %get3A_15 = arith.constant 0 : index
    %get3A_16 = vector.load %arg6[%get3A_15] : memref<131072xbf16, #tpu.memory_space<vmem>>, vector<131072xbf16>
    %convert_element_type3A_17 = arith.extf %get3A_16 : vector<131072xbf16> to vector<131072xf32>
    %reshape3A_18 = vector.shape_cast %convert_element_type3A_17 : vector<131072xf32> to vector<1024x128xf32>
    %add3A_19 = arith.addf %reshape3A, %reshape3A_18 : vector<1024x128xf32>
    %mul3A = vector.broadcast %select_n3A : vector<1024x1xf32> to vector<1024x128xf32>
    %mul3A_20 = arith.mulf %add3A_19, %mul3A : vector<1024x128xf32>
    %get3A_21 = arith.constant 0 : index
    %get3A_22 = arith.constant 0 : index
    %get3A_23 = vector.load %arg2[%get3A_21, %get3A_22] : memref<128x128xf32, #tpu.memory_space<vmem>>, vector<128x128xf32>
    %iota3A = tpu.iota {dimensions = array<i32: 0>} : vector<128x128xi32>
    %iota3A_24 = tpu.iota {dimensions = array<i32: 1>} : vector<128x128xi32>
    %eq3A = arith.cmpi eq, %iota3A, %iota3A_24 : vector<128x128xi32>
    %jit3A_25 = arith.constant 1.000000e-01 : f32
    %jit3A_26 = arith.constant 0.000000e+00 : f32
    %broadcast_in_dim3A_27 = vector.broadcast %jit3A_25 : f32 to vector<128x128xf32>
    %broadcast_in_dim3A_28 = vector.broadcast %jit3A_26 : f32 to vector<128x128xf32>
    %select_n3A_29 = arith.select %eq3A, %broadcast_in_dim3A_27, %broadcast_in_dim3A_28 : vector<128x128xi1>, vector<128x128xf32>
    %transpose3A = tpu.transpose %get3A_23, [1, 0] : vector<128x128xf32> -> vector<128x128xf32>
    %sub3A = arith.subf %get3A_23, %transpose3A : vector<128x128xf32>
    %sub3A_30 = arith.subf %sub3A, %select_n3A_29 : vector<128x128xf32>
    %get3A_31 = arith.constant 0 : index
    %get3A_32 = arith.constant 0 : index
    %get3A_33 = vector.load %arg1[%get3A_31, %get3A_32] : memref<1024x128xf32, #tpu.memory_space<vmem>>, vector<1024x128xf32>
    %dot_general3A = arith.constant dense<0.000000e+00> : vector<1024x128xf32>
    %dot_general3A_34 = tpu.matmul %get3A_33, %sub3A_30, %dot_general3A {dimension_numbers = #tpu.dot_dimension_numbers<[1], [0], [0], [1], [0, 0, 1, 1], [], []>, transpose_lhs_hint = false} : vector<1024x128xf32>, vector<128x128xf32>, vector<1024x128xf32> -> vector<1024x128xf32>
    %get3A_35 = arith.constant 0 : index
    %get3A_36 = arith.constant 0 : index
    %get3A_37 = vector.load %arg3[%get3A_35, %get3A_36] : memref<1x128xf32, #tpu.memory_space<vmem>>, vector<1x128xf32>
    %add3A_38 = vector.broadcast %get3A_37 : vector<1x128xf32> to vector<1024x128xf32>
    %add3A_39 = arith.addf %dot_general3A_34, %add3A_38 : vector<1024x128xf32>
    %add3A_40 = arith.addf %add3A_39, %mul3A_20 : vector<1024x128xf32>
    %tanh3A = math.tanh %add3A_40 : vector<1024x128xf32>
    %mul3A_41 = arith.constant 1.000000e-01 : f32
    %mul3A_42 = vector.broadcast %mul3A_41 : f32 to vector<1024x128xf32>
    %mul3A_43 = arith.mulf %mul3A_42, %tanh3A : vector<1024x128xf32>
    %add3A_44 = arith.addf %get3A_33, %mul3A_43 : vector<1024x128xf32>
    %swap3A = arith.constant 0 : index
    %swap3A_45 = arith.constant 0 : index
    %swap3A_46 = vector.load %arg7[%swap3A, %swap3A_45] : memref<1024x128xf32, #tpu.memory_space<vmem>>, vector<1024x128xf32>
    tpu.vector_store %arg7[%swap3A, %swap3A_45], %add3A_44 {strides = array<i32>} : memref<1024x128xf32, #tpu.memory_space<vmem>>, vector<1024x128xf32>,
    return
  }
  func.func @transform_0(%arg0: i32) -> (i32, i32) {
    %c0_i32 = arith.constant 0 : i32
    %c0_i32_0 = arith.constant 0 : i32
    return %arg0, %c0_i32 : i32, i32
  }
  func.func @transform_1(%arg0: i32) -> (i32, i32) {
    %c0_i32 = arith.constant 0 : i32
    %c0_i32_0 = arith.constant 0 : i32
    %c0_i32_1 = arith.constant 0 : i32
    return %c0_i32, %c0_i32_0 : i32, i32
  }
  func.func @transform_2(%arg0: i32) -> (i32, i32) {
    %c0_i32 = arith.constant 0 : i32
    %c0_i32_0 = arith.constant 0 : i32
    %c0_i32_1 = arith.constant 0 : i32
    return %c0_i32, %c0_i32_0 : i32, i32
  }
  func.func @transform_3(%arg0: i32) -> (i32, i32, i32) {
    %c0_i32 = arith.constant 0 : i32
    %c0_i32_0 = arith.constant 0 : i32
    %c0_i32_1 = arith.constant 0 : i32
    return %c0_i32, %arg0, %c0_i32_0 : i32, i32, i32
  }
  func.func @transform_4(%arg0: i32) -> i32 {
    %c0_i32 = arith.constant 0 : i32
    return %arg0 : i32
  }
  func.func @transform_5(%arg0: i32) -> i32 {
    %add3A = arith.constant 10 : i32
    %add3A_0 = arith.addi %arg0, %add3A : i32
    %c0_i32 = arith.constant 0 : i32
    return %add3A_0 : i32
  }
  func.func @transform_6(%arg0: i32) -> (i32, i32) {
    %c0_i32 = arith.constant 0 : i32
    %c0_i32_0 = arith.constant 0 : i32
    return %arg0, %c0_i32 : i32, i32
  }
}

</mosaic_0001>

<sc_bundles>
// kernel: kernel.6.cloned.1.call-start
scs
__scs_entry_jumppad:
0x0: {  	(pc) =	sbr.rel $0x88, $3  }
0x1: {  	(tag) =	ssettag $0x0;
	lr =	simm.s32 $0x1  }
0x2: {  	[smem:$0x3F9D] =	sst lr;
	_ =	strace $0xD0000000  }
0x3: {  	_ = 	snop  }
0x4: {  	_ = 	snop  }
0x5: {  	_ = 	snop  }
0x6: {  	_ = 	snop  }
0x7: {  	_ = 	snop  }
__scs_overlays_trampoline_lowered:
0x8: {  	[smem:$0x3FAC] =	sst s0  }
0x9: {  	[smem:$0x3FAD] =	sst s1  }
0xa: {  	[smem:$0x3FAE] =	sst s2  }
0xb: {  	[smem:$0x3FAF] =	sst s3  }
0xc: {  	[smem:$0x3FB0] =	sst s4  }
0xd: {  	[smem:$0x3FB1] =	sst s5  }
0xe: {  	[smem:$0x3FB2] =	sst s6  }
0xf: {  	[smem:$0x3FB3] =	sst s7  }
0x10: {  	[smem:$0x3FB4] =	sst s8  }
0x11: {  	[smem:$0x3FB5] =	sst s9;
	s0 =	simm.s32 @!p0 $0x0  }
0x12: {  	s1 =	sld [smem:$0x3F9B];
	s0 =	simm.s32 @p0 $0x1  }
0x13: {  	[smem:$0x3FB6] =	sst s0;
	s0 =	simm.s32 @!p1 $0x0  }
0x14: {  	s2 =	sld [smem:$0x3F9A];
	s0 =	simm.s32 @p1 $0x1  }
0x15: {  	[smem:$0x3FB7] =	sst s0;
	s0 =	simm.s32 @!p2 $0x0  }
0x16: {  	s3 =	sld [smem:$0x3FDB];
	s0 =	simm.s32 @p2 $0x1  }
0x17: {  	s4 =	simm.s32 $0x1BF5;
	[smem:$0x3FB9] =	sst s0  }
0x18: {  	s0 =	sld [smem:$0x3F9C];
	_ =	swait.ge [sflag:s4], $0x0  }
0x19: {  	s7 =	sld [smem:$0x3F9D]  }
0x1a: {  	s8 =	sadd.s32 $0xFFFFE003, lr  }
0x1b: {  	s9 =	sadd.s32 $0xFFFFFEF7, lr;
	s5 =	simm.s32 $0xFFFFFFFF;
	p2 =	slt.u32 s8, $0xFFFFF086  }
0x1c: {  	p1 =	slt.u32 s9, $0xF7A;
	s5 =	simm.s32 @!p2 $0x0  }
0x1d: {  	s5 =	simm.s32 @p1 $0x1;
	p0 =	seq.s32 s7, s2  }
0x1e: {  	s7 =	smul.u32 @!p0 $0xF7A, s2;
	p2 =	seq.s32 @!p0 s5, $0x0  }
0x1f: {  	s9 =	smul.u32 $0xF7A, s1;
	s8 =	simm.s32 @!p0 $0x1BF5;
	p2 =	por !p2, p0  }
0x20: {  	[sflag:s8] =	ssyncset.s32 @!p0 $0xFFFFF086;
	s6 =	sadd.s32 @!p0 s3, s7;
	s7 =	simm.s32 @!p0 $0x108  }
0x21: {  	s3 =	sadd.s32 s3, s9;
	s6 =	sadd.s32 @!p0 $0x88, s6;
	s7 =	simm.s32 @p2 $0x1082  }
0x22: {  	[simem:s7], [sflag:s8] =	dma.local @!p0 [hbm:s6], $0xF7A  }
0x23: {  	s9 =	sor.u32 $0xD0000000, s2;
	s6 =	simm.s32 $0x108;
	_ =	swait.ge @!p0 [sflag:s8], $0x0  }
0x24: {  	s3 =	sadd.s32 $0x88, s3;
	s6 =	simm.s32 @!p1 $0x1082;
	[sflag:s4] =	ssyncset.s32 $0xFFFFF086  }
0x25: {  	[simem:s6], [sflag:s4] =	dma.local [hbm:s3], $0xF7A  }
0x26: {  	[smem:$0x3F9D] =	sst s1;
	(tag) =	ssettag s2;
	_ =	strace s9  }
0x27: {  	s1 =	sld [smem:$0x3FAD]  }
0x28: {  	s2 =	sld [smem:$0x3FAE]  }
0x29: {  	s4 =	sld [smem:$0x3FB0]  }
0x2a: {  	p0 =	seq.s32 s5, $0x0;
	s5 =	sld [smem:$0x3FB1]  }
0x2b: {  	s6 =	sld [smem:$0x3FB2]  }
0x2c: {  	s7 =	sld [smem:$0x3FB3]  }
0x2d: {  	s3 =	simm.s32 $0x108;
	s8 =	sld [smem:$0x3FB4]  }
0x2e: {  	s3 =	simm.s32 @!p0 $0x1082;
	s9 =	sld [smem:$0x3FB5]  }
0x2f: {  	lr =	sadd.s32 s0, s3;
	s0 =	sld [smem:$0x3FAC]  }
0x30: {  	s3 =	sld [smem:$0x3FAF]  }
0x31: {  	[smem:$0x3FB8] =	sst s10  }
0x32: {  	s10 =	sld [smem:$0x3FB6];
	_ =	sdelay $0x3  }
0x33: {  	p0 =	seq.s32 s10, $0x1;
	s10 =	sld [smem:$0x3FB8];
	_ =	sdelay $0x3  }
0x34: {  	[smem:$0x3FB8] =	sst s10  }
0x35: {  	s10 =	sld [smem:$0x3FB7];
	_ =	sdelay $0x3  }
0x36: {  	p1 =	seq.s32 s10, $0x1;
	s10 =	sld [smem:$0x3FB8];
	_ =	sdelay $0x3  }
0x37: {  	[smem:$0x3FB8] =	sst s10  }
0x38: {  	s10 =	sld [smem:$0x3FB9]  }
0x39: {  	_ = 	snop;
	(pc) =	sbr.ind lr, $3  }
0x3a: {  	_ = 	snop  }
0x3b: {  	_ = 	snop  }
0x3c: {  	p2 =	seq.s32 s10, $0x1;
	s10 =	sld [smem:$0x3FB8]  }
0x3d: {  	_ =	shalt  }
0x3e: {  	_ =	shalt  }
0x3f: {  	_ =	shalt  }
0x40: {  	_ =	shalt  }
0x41: {  	_ =	shalt  }
0x42: {  	_ =	shalt  }
0x43: {  	_ =	shalt  }
0x44: {  	_ =	shalt  }
0x45: {  	_ =	shalt  }
0x46: {  	_ =	shalt  }
0x47: {  	_ =	shalt  }
0x48: {  	_ =	shalt  }
0x49: {  	_ =	shalt  }
0x4a: {  	_ =	shalt  }
0x4b: {  	_ =	shalt  }
0x4c: {  	_ =	shalt  }
0x4d: {  	_ =	shalt  }
0x4e: {  	_ =	shalt  }
0x4f: {  	_ =	shalt  }
0x50: {  	_ =	shalt  }
0x51: {  	_ =	shalt  }
0x52: {  	_ =	shalt  }
0x53: {  	_ =	shalt  }
0x54: {  	_ =	shalt  }
0x55: {  	_ =	shalt  }
0x56: {  	_ =	shalt  }
0x57: {  	_ =	shalt  }
0x58: {  	_ =	shalt  }
0x59: {  	_ =	shalt  }
0x5a: {  	_ =	shalt  }
0x5b: {  	_ =	shalt  }
0x5c: {  	_ =	shalt  }
0x5d: {  	_ =	shalt  }
0x5e: {  	_ =	shalt  }
0x5f: {  	_ =	shalt  }
0x60: {  	_ =	shalt  }
0x61: {  	_ =	shalt  }
0x62: {  	_ =	shalt  }
0x63: {  	_ =	shalt  }
0x64: {  	_ =	shalt  }
0x65: {  	_ =	shalt  }
0x66: {  	_ =	shalt  }
0x67: {  	_ =	shalt  }
0x68: {  	_ =	shalt  }
0x69: {  	_ =	shalt  }
0x6a: {  	_ =	shalt  }
0x6b: {  	_ =	shalt  }
0x6c: {  	_ =	shalt  }
0x6d: {  	_ =	shalt  }
0x6e: {  	_ =	shalt  }
0x6f: {  	_ =	shalt  }
0x70: {  	_ =	shalt  }
0x71: {  	_ =	shalt  }
0x72: {  	_ =	shalt  }
0x73: {  	_ =	shalt  }
0x74: {  	_ =	shalt  }
0x75: {  	_ =	shalt  }
0x76: {  	_ =	shalt  }
0x77: {  	_ =	shalt  }
0x78: {  	_ =	shalt  }
0x79: {  	_ =	shalt  }
0x7a: {  	_ =	shalt  }
0x7b: {  	_ =	shalt  }
0x7c: {  	_ =	shalt  }
0x7d: {  	_ =	shalt  }
0x7e: {  	_ =	shalt  }
0x7f: {  	_ =	shalt  }
0x80: {  	_ =	shalt  }
0x81: {  	_ =	shalt  }
0x82: {  	_ =	shalt  }
0x83: {  	_ =	shalt  }
0x84: {  	_ =	shalt  }
0x85: {  	_ =	shalt  }
0x86: {  	_ =	shalt  }
0x87: {  	_ =	shalt  }
.Lfunc_end0:
.L_simem_size_0:
called_computation_lowered:
.L_overlay_start_0:
0x88: {  	s2 =	sld [smem:$0x3FD9]  }
0x89: {  	s3 =	sld [smem:$0x3FFE];
	_ =	sdelay $0x1  }
0x8a: {  	s1 =	srdreg.scid  }
0x8b: {  	s0 =	sand.u32 $0x1, s1  }
0x8c: {  	s16 =	sshll.u32 s0, $0xA;
	s2 =	sadd.s32 s3, s2  }
0x8d: {  	s2 =	sadd.s32 s2, s16  }
0x8e: {  	[smem:$0x3FC4] =	sst s2  }
0x8f: {  	_ = 	snop  }
0x90: {  	(tm) =	ssettm $0x1  }
0x91: {  	s17 =	sld [smem:$0x3FFB];
	_ =	sdelay $0x3  }
0x92: {  	_ =	strace s17  }
0x93: {  	s2 =	sld [smem:$0x3FFC];
	_ =	sdelay $0x3  }
0x94: {  	_ =	strace s2  }
0x95: {  	s2 =	sld [smem:$0x3FFD];
	_ =	sdelay $0x3  }
0x96: {  	_ =	strace s2  }
0x97: {  	_ =	strace $0x8FFFFFFF  }
0x98: {  	s18 =	sld [smem:$0x3FDB];
	_ =	sdelay $0x1  }
0x99: {  	s19 =	simm.s32 $_scs_section_size  }
0x9a: {  	s4 =	simm.s32 $_size__tile_overlayer_lowered;
	s5 =	simm.s32 $_tile_overlayer_lowered  }
0x9b: {  	s22 =	simm.s32 $0x1BFF;
	s21 =	sshll.u32 s5, $0x1;
	s2 =	sadd.s32 s19, s18  }
0x9c: {  	s6 =	simm.s32 $0x0;
	s20 =	sshll.u32 s4, $0x1;
	s4 =	sadd.s32 s21, s2  }
0x9d: {  	[timem:s6], [sflag:s22] =	dma.local [hbm:s4], s20  }
0x9e: {  	_ =	swait.ge [sflag:s22], s20  }
0x9f: {  	s3 =	ssub.s32 $0x0, s20;
	[sflag:s22] =	ssyncset.done $0x0  }
0xa0: {  	[sflag:s22] =	ssyncadd.s32 s3;
	_ =	sdelay $0x1  }
0xa1: {  	s23 =	simm.s32 $0x1B8B  }
0xa2: {  	_ =	swait.ge [sflag:s23], $0x1  }
0xa3: {  	[sflag:s23] =	ssyncset.done $0x0  }
0xa4: {  	s25 =	simm.s32 $0x1B8E;
	s24 =	sld [smem:$0x3FFE];
	[sflag:s23] =	ssyncadd.s32 $0xFFFFFFFF  }
0xa5: {  	s26 =	simm.s32 $execute0_lowered;
	[smem:$0x3FD2] =	sst s25  }
0xa6: {  	s4 =	sshll.u32 s26, $0x1;
	_ =	strace $0x80000046;
	[dreg:$0x1] =	wrdreg $0xFFFFFFFF  }
0xa7: {  	s28 =	simm.s32 $_size_execute0_lowered;
	s2 =	sadd.s32 s2, s4;
	[dreg:$0x0] =	wrdreg $0x0  }
0xa8: {  	s4 =	sshll.u32 s28, $0x1;
	[dreg:$0x2] =	wrdreg s2  }
0xa9: {  	[dreg:$0x3] =	wrdreg s4  }
0xaa: {  	[dreg:$0x4] =	wrdreg $0xC0  }
0xab: {  	_ =	task [dreg:s6], $0x5FFFF  }
0xac: {  	[dreg:$0x1] =	wrdreg $0xFFFFFFFF  }
0xad: {  	[dreg:$0x0] =	wrdreg $0x60  }
0xae: {  	[dreg:$0x2] =	wrdreg s24  }
0xaf: {  	[dreg:$0x3] =	wrdreg $0x0  }
0xb0: {  	[dreg:$0x4] =	wrdreg $0x9  }
0xb1: {  	_ =	task.clear_ibuf [dreg:s6], $0x5FFFF;
	_ =	strace $0x90000046  }
0xb2: {  	s29 =	simm.s32 $0x9;
	_ =	strace $0x80000048  }
0xb3: {  	_ =	swait.ge [sflag:s29], $0x1  }
0xb4: {  	[sflag:s29] =	ssyncadd.s32 $0xFFFFFFFF  }
0xb5: {  	_ =	strace $0x90000048  }
0xb6: {  	_ =	sfence  }
0xb7: {  	s30 =	sld [smem:$0x0];
	_ =	sdelay $0x2  }
0xb8: {  	s31 =	sshll.u32 s1, $0xD;
	s1 =	sshrl.u32 s1, $0x2  }
0xb9: {  	s3 =	sand.u32 $0x4000, s31;
	s1 =	sadd.s32 s1, s30  }
0xba: {  	s0 =	sor.u32 s3, s0;
	s1 =	sshll.u32 s1, $0x11  }
0xbb: {  	s0 =	sor.u32 s1, s0  }
0xbc: {  	s0 =	sadd.s32 $0x8F2B, s0  }
0xbd: {  	[sflag:s0] =	ssyncadd.remote.s32 $0x1  }
0xbe: {  	_ =	sfence.sel $0xFFFF  }
0xbf: {  	[dreg:$0x0] =	wrdreg $0xFFFFFFFF;
	(pc) =	sbr.abs _section_cstart, $3  }
0xc0: {  	[dreg:$0x1] =	wrdreg $0xFFFFFFFF  }
0xc1: {  	_ =	task.clear_ibuf [dreg:s6], $0x2FFFF;
	_ =	strace $0x9FFFFFFF  }
0xc2: {  	(tm) =	ssettm $0x7FFFFFFF  }
0xc3: {  	_ =	shalt  }
tec
execute0_lowered:
.L_overlay_start_1:
0x0: {  	(tag) =	ssettag $0x1  }
0x1: {  	s4 =	rddreg [dreg:$0x0]  }
0x2: {  	s1 =	rddreg [dreg:$0x1]  }
0x3: {  	s3 =	srdreg.scid;
	s0 =	rddreg [dreg:$0x2];
	s2 =	simm.s32 $0x0  }
0x4: {  	s16 =	stileid.u32;
	s10 =	simm.s32 $0x50;
	s11 =	simm.s32 $0x5410  }
0x5: {  	s12 =	simm.s32 $0x2800;
	s13 =	simm.s32 $0x5460;
	s14 =	simm.s32 $0x1  }
0x6: {  	s15 =	simm.s32 $0x2;
	s18 =	simm.s32 $0x0;
	s5 =	sand.u32 $0x1, s3  }
0x7: {  	[smem:$0x7FF] =	sst s2;
	s7 =	smul.u32 $0x2800, s16;
	p0 =	sne.s32 s16, $0x0  }
0x8: {  	s6 =	smul.u32 $0x28000, s5;
	s3 =	sshll.u32 s5, $0x4;
	s5 =	ssub.s32 $0x2, s5  }
0x9: {  	_ =	strace $0x80000047;
	s3 =	sor.u32 s16, s3;
	s9 =	sshrl.u32 s5, $0x1  }
0xa: {  	s17 =	sadd.s32 s7, s1;
	s16 =	sshll.u32 s16, $0x6;
	s8 =	smul.u32 $0x2710, s3  }
0xb: {  	s3 =	sadd.s32 $0x14E00, s4;
	s6 =	sadd.s32 s7, s6;
	s9 =	ssub.s32 s5, s9  }
0xc: {  	s7 =	sshrl.u32 @!p0 s1, $0x3;
	s16 =	sor.u32 $0x1C03, s16;
	s6 =	sshrl.u32 s6, $0x3  }
0xd: {  	s17 =	sshrl.u32 s17, $0x3;
	s8 =	sshrl.u32 s8, $0x3;
	s6 =	sadd.s32 s6, s4  }
0xe: {  	s4 =	sadd.s32 s4, s8;
	s5 =	sadd.s32 $0x19E00, s6;
	s6 =	smax.u32 s9, $0x1  }
0xf: {  	v0 =	vimm.f32 $1.000000000e+00;
	s8 =	simm.s32 $0x2D00;
	s9 =	simm.s32 $0x3;
	s4 =	sadd.s32 $0xB040, s4  }
.LBB2_1:
0x10: {  	s19 =	simm.s32 @!p0 $0x1C03  }
0x11: {  	[spmem:s7], [sflag:s19] =	dma.local @!p0 [hbm:s3], $0x5000  }
0x12: {  	s19 =	simm.s32 @!p0 $0x3  }
0x13: {  	_ =	swait.ge @!p0 [sflag:s19], $0x5000  }
0x14: {  	[sflag:s19] =	ssyncset.done @!p0 $0x0  }
0x15: {  	[sflag:s19] =	ssyncadd.s32 @!p0 $0xFFFFB000  }
0x16: {  	[tilespmem:s8], [sflag:$0x3] =	stream.linear.gather [hbm4b:s4+s2], $0x2710, $0x38;
	[tilespmem:$0x54B0] =	vst v63  }
0x17: {  	_ =	swait.ge [sflag:s9], $0x2710  }
0x18: {  	[sflag:s9] =	ssyncset.done $0x0  }
0x19: {  	s20 =	simm.s32 $0x0;
	s19 =	simm.s32 $0x40;
	[sflag:s9] =	ssyncadd.s32 $0xFFFFD8F0  }
.LBB2_2:
0x1a: {  	p1 =	sne.s32 s19, $0x13C0;
	[tilespmem:s20+$0x2800] =	vst v0;
	s20 =	smov.u32 s19;
	s19 =	sadd.s32 $0x40, s19  }
.Ltmp0:
0x1b: {  	(pc) =	sbr.rel @p1 .LBB2_2-.Ltmp0, $2  }
0x1c: {  	_ =	sdelay $0x2  }
0x1d: {  	s20 =	sshra.s32 s20, $0x2  }
0x1e: {  	[tilespmem:s20+$0x2800] =	vst v0  }
0x1f: {  	[bflag:$0x0] =	sbarrier.arrive $0xFFFF  }
0x20: {  	v1 =	vld [tilespmem:$0x2D00]  }
0x21: {  	v2 =	vld [tilespmem:$0x2D10]  }
0x22: {  	v3 =	vld [tilespmem:$0x2D20]  }
0x23: {  	v4 =	vld [tilespmem:$0x2D30]  }
0x24: {  	v5 =	vld [tilespmem:$0x2D40]  }
0x25: {  	[tilespmem:$0x5410] =	vst v1  }
0x26: {  	[tilespmem:$0x5420] =	vst v2  }
0x27: {  	[tilespmem:$0x5430] =	vst v3  }
0x28: {  	[tilespmem:$0x5440] =	vst v4  }
0x29: {  	[tilespmem:$0x5450] =	vst v5  }
0x2a: {  	[spmem:s1] =	stream.indirect.scatter.add.f32 [tilespmem:s12], [sflag:$0x1], $0x10, s11, s10, $0xb8;
	[tilespmem:$0x54B0] =	vst v63  }
0x2b: {  	v1 =	vld [tilespmem:$0x2D50]  }
0x2c: {  	v2 =	vld [tilespmem:$0x2D60]  }
0x2d: {  	v3 =	vld [tilespmem:$0x2D70]  }
0x2e: {  	v62 =	vld [tilespmem:$0x2D80]  }
0x2f: {  	v63 =	vld [tilespmem:$0x2D90]  }
0x30: {  	[tilespmem:$0x5460] =	vst v1  }
0x31: {  	[tilespmem:$0x5470] =	vst v2  }
0x32: {  	[tilespmem:$0x5480] =	vst v3  }
0x33: {  	[tilespmem:$0x5490] =	vst v62  }
0x34: {  	[tilespmem:$0x54A0] =	vst v63  }
0x35: {  	[spmem:s1] =	stream.indirect.scatter.add.f32 [tilespmem:s12], [sflag:$0x2], $0x10, s13, s10, $0xb8;
	[tilespmem:$0x54B0] =	vst v63  }
0x36: {  	_ =	swait.ge [sflag:s14], $0x500  }
0x37: {  	[sflag:s14] =	ssyncset.done $0x0  }
0x38: {  	s19 =	simm.s32 $0x130;
	[sflag:s14] =	ssyncadd.s32 $0xFFFFFB00  }
0x39: {  	v1 =	vld [tilespmem:s19+$0x2C70];
	_ =	sdelay $0x4  }
0x3a: {  	[tilespmem:$0x5410] =	vst v1  }
0x3b: {  	v1 =	vld [tilespmem:s19+$0x2C80];
	_ =	sdelay $0x4  }
0x3c: {  	[tilespmem:$0x5420] =	vst v1  }
0x3d: {  	v1 =	vld [tilespmem:s19+$0x2C90];
	_ =	sdelay $0x4  }
0x3e: {  	[tilespmem:$0x5430] =	vst v1  }
0x3f: {  	v1 =	vld [tilespmem:s19+$0x2CA0];
	_ =	sdelay $0x4  }
0x40: {  	[tilespmem:$0x5440] =	vst v1  }
0x41: {  	v1 =	vld [tilespmem:s19+$0x2CB0];
	_ =	sdelay $0x4  }
0x42: {  	[tilespmem:$0x5450] =	vst v1  }
0x43: {  	[spmem:s1] =	stream.indirect.scatter.add.f32 [tilespmem:s12], [sflag:$0x1], $0x10, s11, s10, $0xb8;
	[tilespmem:$0x54B0] =	vst v63  }
0x44: {  	_ =	swait.ge [sflag:s15], $0x500  }
0x45: {  	[sflag:s15] =	ssyncset.done $0x0  }
0x46: {  	[sflag:s15] =	ssyncadd.s32 $0xFFFFFB00  }
0x47: {  	v1 =	vld [tilespmem:s19+$0x2CC0];
	_ =	sdelay $0x4  }
0x48: {  	[tilespmem:$0x5460] =	vst v1  }
0x49: {  	v1 =	vld [tilespmem:s19+$0x2CD0];
	_ =	sdelay $0x4  }
0x4a: {  	[tilespmem:$0x5470] =	vst v1  }
0x4b: {  	v1 =	vld [tilespmem:s19+$0x2CE0];
	_ =	sdelay $0x4  }
0x4c: {  	[tilespmem:$0x5480] =	vst v1  }
0x4d: {  	v1 =	vld [tilespmem:s19+$0x2CF0];
	_ =	sdelay $0x4  }
0x4e: {  	[tilespmem:$0x5490] =	vst v1  }
0x4f: {  	v1 =	vld [tilespmem:s19+$0x2D00];
	_ =	sdelay $0x4  }
0x50: {  	s19 =	simm.s32 $0x740;
	[tilespmem:$0x54A0] =	vst v1  }
.LBB2_4:
0x51: {  	[spmem:s1] =	stream.indirect.scatter.add.f32 [tilespmem:s12], [sflag:$0x2], $0x10, s13, s10, $0xb8;
	[tilespmem:$0x54B0] =	vst v63  }
0x52: {  	s20 =	smov.u32 s19  }
0x53: {  	p1 =	sne.s32 s19, $0x9AC0;
	s19 =	sadd.s32 $0x280, s19;
	_ =	swait.ge [sflag:s14], $0x500  }
0x54: {  	[sflag:s14] =	ssyncset.done $0x0  }
0x55: {  	s20 =	sshra.s32 s20, $0x2;
	[sflag:s14] =	ssyncadd.s32 $0xFFFFFB00  }
0x56: {  	v1 =	vld [tilespmem:s20+$0x2C70];
	_ =	sdelay $0x4  }
0x57: {  	[tilespmem:$0x5410] =	vst v1  }
0x58: {  	v1 =	vld [tilespmem:s20+$0x2C80];
	_ =	sdelay $0x4  }
0x59: {  	[tilespmem:$0x5420] =	vst v1  }
0x5a: {  	v1 =	vld [tilespmem:s20+$0x2C90];
	_ =	sdelay $0x4  }
0x5b: {  	[tilespmem:$0x5430] =	vst v1  }
0x5c: {  	v1 =	vld [tilespmem:s20+$0x2CA0];
	_ =	sdelay $0x4  }
0x5d: {  	[tilespmem:$0x5440] =	vst v1  }
0x5e: {  	v1 =	vld [tilespmem:s20+$0x2CB0];
	_ =	sdelay $0x4  }
0x5f: {  	[tilespmem:$0x5450] =	vst v1  }
0x60: {  	[spmem:s1] =	stream.indirect.scatter.add.f32 [tilespmem:s12], [sflag:$0x1], $0x10, s11, s10, $0xb8;
	[tilespmem:$0x54B0] =	vst v63  }
0x61: {  	_ =	swait.ge [sflag:s15], $0x500  }
0x62: {  	[sflag:s15] =	ssyncset.done $0x0  }
0x63: {  	[sflag:s15] =	ssyncadd.s32 $0xFFFFFB00  }
0x64: {  	v1 =	vld [tilespmem:s20+$0x2CC0];
	_ =	sdelay $0x4  }
0x65: {  	[tilespmem:$0x5460] =	vst v1  }
0x66: {  	v1 =	vld [tilespmem:s20+$0x2CD0];
	_ =	sdelay $0x4  }
0x67: {  	[tilespmem:$0x5470] =	vst v1  }
0x68: {  	v1 =	vld [tilespmem:s20+$0x2CE0];
	_ =	sdelay $0x4  }
0x69: {  	[tilespmem:$0x5480] =	vst v1  }
0x6a: {  	v1 =	vld [tilespmem:s20+$0x2CF0];
	_ =	sdelay $0x4  }
0x6b: {  	[tilespmem:$0x5490] =	vst v1  }
0x6c: {  	v1 =	vld [tilespmem:s20+$0x2D00]  }
.Ltmp1:
0x6d: {  	(pc) =	sbr.rel @p1 .LBB2_4-.Ltmp1, $2  }
0x6e: {  	_ =	sdelay $0x2  }
0x6f: {  	[tilespmem:$0x54A0] =	vst v1  }
0x70: {  	[spmem:s1] =	stream.indirect.scatter.add.f32 [tilespmem:s12], [sflag:$0x2], $0x10, s13, s10, $0xb8;
	[tilespmem:$0x54B0] =	vst v63  }
0x71: {  	_ =	swait.ge [sflag:s14], $0x500  }
0x72: {  	[sflag:s14] =	ssyncset.done $0x0  }
0x73: {  	[sflag:s14] =	ssyncadd.s32 $0xFFFFFB00  }
0x74: {  	v1 =	vld [tilespmem:$0x53C0]  }
0x75: {  	v2 =	vld [tilespmem:$0x53D0]  }
0x76: {  	v3 =	vld [tilespmem:$0x53E0]  }
0x77: {  	v4 =	vld [tilespmem:$0x53F0]  }
0x78: {  	v5 =	vld [tilespmem:$0x5400]  }
0x79: {  	[tilespmem:$0x5410] =	vst v1  }
0x7a: {  	[tilespmem:$0x5420] =	vst v2  }
0x7b: {  	[tilespmem:$0x5430] =	vst v3  }
0x7c: {  	[tilespmem:$0x5440] =	vst v4  }
0x7d: {  	[tilespmem:$0x5450] =	vst v5  }
0x7e: {  	[spmem:s1] =	stream.indirect.scatter.add.f32 [tilespmem:s12], [sflag:$0x1], $0x10, s11, s10, $0xb8;
	[tilespmem:$0x54B0] =	vst v63  }
0x7f: {  	_ =	swait.ge [sflag:s15], $0x500  }
0x80: {  	[sflag:s15] =	ssyncset.done $0x0  }
0x81: {  	[sflag:s15] =	ssyncadd.s32 $0xFFFFFB00  }
0x82: {  	_ =	swait.ge [sflag:s14], $0x500  }
0x83: {  	s18 =	sadd.s32 $0x1, s18;
	[sflag:s14] =	ssyncset.done $0x0  }
0x84: {  	p1 =	sne.s32 s18, s6;
	[sflag:s14] =	ssyncadd.s32 $0xFFFFFB00  }
.Ltmp2:
0x85: {  	[bflag:$0x0] =	sbarrier.arrive $0xFFFF;
	(pc) =	sbr.rel @p1 .LBB2_1-.Ltmp2, $4  }
0x86: {  	[hbm:s5], [sflag:s16] =	dma.local [spmem:s17], $0x500  }
0x87: {  	_ =	swait.ge [sflag:s9], $0x500  }
0x88: {  	[sflag:s9] =	ssyncset.done $0x0  }
0x89: {  	[sflag:s9] =	ssyncadd.s32 $0xFFFFFB00  }
0x8a: {  	_ =	sfence.sel $0x180000  }
0x8b: {  	[bflag:$0x0] =	sbarrier.arrive $0xFFFF  }
0x8c: {  	_ =	strace $0x90000047  }
0x8d: {  	s0 =	sadd.s32 @!p0 $0x100000, s0;
	[bflag:$0x2] =	sbarrier.arrive $0xFFFF  }
0x8e: {  	[sflag:s0] =	ssyncadd.tile.s32 @!p0 $0x1;
	_ =	shalt  }
.Lfunc_end2:
_tile_overlayer_lowered:
.L_overlay_start_2:
0x8f: {  	(tag) =	ssettag $0x2  }
0x90: {  	s0 =	rddreg [dreg:$0x0];
	s2 =	stileid.u32  }
0x91: {  	s1 =	rddreg [dreg:$0x1];
	p0 =	sne.s32 s2, $0x0  }
0x92: {  	s3 =	rddreg [dreg:$0x2];
	[bflag:$0x3] =	sbarrier.arrive $0xFFFF;
	s2 =	simm.s32 @!p0 $0x1C03  }
0x93: {  	[timem:s3], [sflag:s2] =	dma.local @!p0 [hbm:s0], s1  }
0x94: {  	s0 =	simm.s32 @!p0 $0x3  }
0x95: {  	_ =	swait.ge @!p0 [sflag:s0], s1  }
0x96: {  	s1 =	ssub.s32 @!p0 $0x0, s1;
	[sflag:s0] =	ssyncset.done @!p0 $0x0  }
0x97: {  	[sflag:s0] =	ssyncadd.s32 @!p0 s1  }
0x98: {  	[bflag:$0x3] =	sbarrier.arrive $0xFFFF  }
0x99: {  	_ =	shalt  }

// kernel: kernel.9.cloned.1.call-start
scs
__scs_entry_jumppad:
0x0: {  	(pc) =	sbr.rel $0x88, $3  }
0x1: {  	(tag) =	ssettag $0x0;
	lr =	simm.s32 $0x1  }
0x2: {  	[smem:$0x3F9D] =	sst lr;
	_ =	strace $0xD0000000  }
0x3: {  	_ = 	snop  }
0x4: {  	_ = 	snop  }
0x5: {  	_ = 	snop  }
0x6: {  	_ = 	snop  }
0x7: {  	_ = 	snop  }
__scs_overlays_trampoline_lowered:
0x8: {  	[smem:$0x3FAC] =	sst s0  }
0x9: {  	[smem:$0x3FAD] =	sst s1  }
0xa: {  	[smem:$0x3FAE] =	sst s2  }
0xb: {  	[smem:$0x3FAF] =	sst s3  }
0xc: {  	[smem:$0x3FB0] =	sst s4  }
0xd: {  	[smem:$0x3FB1] =	sst s5  }
0xe: {  	[smem:$0x3FB2] =	sst s6  }
0xf: {  	[smem:$0x3FB3] =	sst s7  }
0x10: {  	[smem:$0x3FB4] =	sst s8  }
0x11: {  	[smem:$0x3FB5] =	sst s9;
	s0 =	simm.s32 @!p0 $0x0  }
0x12: {  	s1 =	sld [smem:$0x3F9B];
	s0 =	simm.s32 @p0 $0x1  }
0x13: {  	[smem:$0x3FB6] =	sst s0;
	s0 =	simm.s32 @!p1 $0x0  }
0x14: {  	s2 =	sld [smem:$0x3F9A];
	s0 =	simm.s32 @p1 $0x1  }
0x15: {  	[smem:$0x3FB7] =	sst s0;
	s0 =	simm.s32 @!p2 $0x0  }
0x16: {  	s3 =	sld [smem:$0x3FDB];
	s0 =	simm.s32 @p2 $0x1  }
0x17: {  	s4 =	simm.s32 $0x1BF5;
	[smem:$0x3FB9] =	sst s0  }
0x18: {  	s0 =	sld [smem:$0x3F9C];
	_ =	swait.ge [sflag:s4], $0x0  }
0x19: {  	s7 =	sld [smem:$0x3F9D]  }
0x1a: {  	s8 =	sadd.s32 $0xFFFFE003, lr  }
0x1b: {  	s9 =	sadd.s32 $0xFFFFFEF7, lr;
	s5 =	simm.s32 $0xFFFFFFFF;
	p2 =	slt.u32 s8, $0xFFFFF086  }
0x1c: {  	p1 =	slt.u32 s9, $0xF7A;
	s5 =	simm.s32 @!p2 $0x0  }
0x1d: {  	s5 =	simm.s32 @p1 $0x1;
	p0 =	seq.s32 s7, s2  }
0x1e: {  	s7 =	smul.u32 @!p0 $0xF7A, s2;
	p2 =	seq.s32 @!p0 s5, $0x0  }
0x1f: {  	s9 =	smul.u32 $0xF7A, s1;
	s8 =	simm.s32 @!p0 $0x1BF5;
	p2 =	por !p2, p0  }
0x20: {  	[sflag:s8] =	ssyncset.s32 @!p0 $0xFFFFF086;
	s6 =	sadd.s32 @!p0 s3, s7;
	s7 =	simm.s32 @!p0 $0x108  }
0x21: {  	s3 =	sadd.s32 s3, s9;
	s6 =	sadd.s32 @!p0 $0x88, s6;
	s7 =	simm.s32 @p2 $0x1082  }
0x22: {  	[simem:s7], [sflag:s8] =	dma.local @!p0 [hbm:s6], $0xF7A  }
0x23: {  	s9 =	sor.u32 $0xD0000000, s2;
	s6 =	simm.s32 $0x108;
	_ =	swait.ge @!p0 [sflag:s8], $0x0  }
0x24: {  	s3 =	sadd.s32 $0x88, s3;
	s6 =	simm.s32 @!p1 $0x1082;
	[sflag:s4] =	ssyncset.s32 $0xFFFFF086  }
0x25: {  	[simem:s6], [sflag:s4] =	dma.local [hbm:s3], $0xF7A  }
0x26: {  	[smem:$0x3F9D] =	sst s1;
	(tag) =	ssettag s2;
	_ =	strace s9  }
0x27: {  	s1 =	sld [smem:$0x3FAD]  }
0x28: {  	s2 =	sld [smem:$0x3FAE]  }
0x29: {  	s4 =	sld [smem:$0x3FB0]  }
0x2a: {  	p0 =	seq.s32 s5, $0x0;
	s5 =	sld [smem:$0x3FB1]  }
0x2b: {  	s6 =	sld [smem:$0x3FB2]  }
0x2c: {  	s7 =	sld [smem:$0x3FB3]  }
0x2d: {  	s3 =	simm.s32 $0x108;
	s8 =	sld [smem:$0x3FB4]  }
0x2e: {  	s3 =	simm.s32 @!p0 $0x1082;
	s9 =	sld [smem:$0x3FB5]  }
0x2f: {  	lr =	sadd.s32 s0, s3;
	s0 =	sld [smem:$0x3FAC]  }
0x30: {  	s3 =	sld [smem:$0x3FAF]  }
0x31: {  	[smem:$0x3FB8] =	sst s10  }
0x32: {  	s10 =	sld [smem:$0x3FB6];
	_ =	sdelay $0x3  }
0x33: {  	p0 =	seq.s32 s10, $0x1;
	s10 =	sld [smem:$0x3FB8];
	_ =	sdelay $0x3  }
0x34: {  	[smem:$0x3FB8] =	sst s10  }
0x35: {  	s10 =	sld [smem:$0x3FB7];
	_ =	sdelay $0x3  }
0x36: {  	p1 =	seq.s32 s10, $0x1;
	s10 =	sld [smem:$0x3FB8];
	_ =	sdelay $0x3  }
0x37: {  	[smem:$0x3FB8] =	sst s10  }
0x38: {  	s10 =	sld [smem:$0x3FB9]  }
0x39: {  	_ = 	snop;
	(pc) =	sbr.ind lr, $3  }
0x3a: {  	_ = 	snop  }
0x3b: {  	_ = 	snop  }
0x3c: {  	p2 =	seq.s32 s10, $0x1;
	s10 =	sld [smem:$0x3FB8]  }
0x3d: {  	_ =	shalt  }
0x3e: {  	_ =	shalt  }
0x3f: {  	_ =	shalt  }
0x40: {  	_ =	shalt  }
0x41: {  	_ =	shalt  }
0x42: {  	_ =	shalt  }
0x43: {  	_ =	shalt  }
0x44: {  	_ =	shalt  }
0x45: {  	_ =	shalt  }
0x46: {  	_ =	shalt  }
0x47: {  	_ =	shalt  }
0x48: {  	_ =	shalt  }
0x49: {  	_ =	shalt  }
0x4a: {  	_ =	shalt  }
0x4b: {  	_ =	shalt  }
0x4c: {  	_ =	shalt  }
0x4d: {  	_ =	shalt  }
0x4e: {  	_ =	shalt  }
0x4f: {  	_ =	shalt  }
0x50: {  	_ =	shalt  }
0x51: {  	_ =	shalt  }
0x52: {  	_ =	shalt  }
0x53: {  	_ =	shalt  }
0x54: {  	_ =	shalt  }
0x55: {  	_ =	shalt  }
0x56: {  	_ =	shalt  }
0x57: {  	_ =	shalt  }
0x58: {  	_ =	shalt  }
0x59: {  	_ =	shalt  }
0x5a: {  	_ =	shalt  }
0x5b: {  	_ =	shalt  }
0x5c: {  	_ =	shalt  }
0x5d: {  	_ =	shalt  }
0x5e: {  	_ =	shalt  }
0x5f: {  	_ =	shalt  }
0x60: {  	_ =	shalt  }
0x61: {  	_ =	shalt  }
0x62: {  	_ =	shalt  }
0x63: {  	_ =	shalt  }
0x64: {  	_ =	shalt  }
0x65: {  	_ =	shalt  }
0x66: {  	_ =	shalt  }
0x67: {  	_ =	shalt  }
0x68: {  	_ =	shalt  }
0x69: {  	_ =	shalt  }
0x6a: {  	_ =	shalt  }
0x6b: {  	_ =	shalt  }
0x6c: {  	_ =	shalt  }
0x6d: {  	_ =	shalt  }
0x6e: {  	_ =	shalt  }
0x6f: {  	_ =	shalt  }
0x70: {  	_ =	shalt  }
0x71: {  	_ =	shalt  }
0x72: {  	_ =	shalt  }
0x73: {  	_ =	shalt  }
0x74: {  	_ =	shalt  }
0x75: {  	_ =	shalt  }
0x76: {  	_ =	shalt  }
0x77: {  	_ =	shalt  }
0x78: {  	_ =	shalt  }
0x79: {  	_ =	shalt  }
0x7a: {  	_ =	shalt  }
0x7b: {  	_ =	shalt  }
0x7c: {  	_ =	shalt  }
0x7d: {  	_ =	shalt  }
0x7e: {  	_ =	shalt  }
0x7f: {  	_ =	shalt  }
0x80: {  	_ =	shalt  }
0x81: {  	_ =	shalt  }
0x82: {  	_ =	shalt  }
0x83: {  	_ =	shalt  }
0x84: {  	_ =	shalt  }
0x85: {  	_ =	shalt  }
0x86: {  	_ =	shalt  }
0x87: {  	_ =	shalt  }
.Lfunc_end0:
.L_simem_size_0:
called_computation.1_lowered:
.L_overlay_start_0:
0x88: {  	s2 =	sld [smem:$0x3FD9]  }
0x89: {  	s3 =	sld [smem:$0x3FFE];
	_ =	sdelay $0x1  }
0x8a: {  	s1 =	srdreg.scid  }
0x8b: {  	s0 =	sand.u32 $0x1, s1  }
0x8c: {  	s17 =	sshll.u32 s0, $0xA;
	s2 =	sadd.s32 s3, s2  }
0x8d: {  	s2 =	sadd.s32 s2, s17  }
0x8e: {  	[smem:$0x3FC4] =	sst s2  }
0x8f: {  	_ = 	snop  }
0x90: {  	s2 =	sld [smem:$0x3FD0];
	(tm) =	ssettm $0x1  }
0x91: {  	s18 =	sld [smem:$0x3FFB];
	_ =	sdelay $0x3  }
0x92: {  	_ =	strace s18  }
0x93: {  	s3 =	sld [smem:$0x3FFC];
	_ =	sdelay $0x3  }
0x94: {  	_ =	strace s3  }
0x95: {  	s3 =	sld [smem:$0x3FFD];
	_ =	sdelay $0x3  }
0x96: {  	_ =	strace s3  }
0x97: {  	_ =	strace $0x8FFFFFFF  }
0x98: {  	s19 =	sld [smem:$0x3FDB];
	_ =	sdelay $0x1  }
0x99: {  	s4 =	simm.s32 $_scs_section_size  }
0x9a: {  	s5 =	simm.s32 $_size__tile_overlayer_lowered;
	s6 =	simm.s32 $_tile_overlayer_lowered  }
0x9b: {  	s22 =	simm.s32 $0x1BFF;
	s21 =	sshll.u32 s6, $0x1;
	s3 =	sadd.s32 s4, s19  }
0x9c: {  	s7 =	simm.s32 $0x0;
	s20 =	sshll.u32 s5, $0x1;
	s5 =	sadd.s32 s21, s3  }
0x9d: {  	[timem:s7], [sflag:s22] =	dma.local [hbm:s5], s20  }
0x9e: {  	_ =	swait.ge [sflag:s22], s20  }
0x9f: {  	s4 =	ssub.s32 $0x0, s20;
	[sflag:s22] =	ssyncset.done $0x0  }
0xa0: {  	[sflag:s22] =	ssyncadd.s32 s4;
	_ =	sdelay $0x1  }
0xa1: {  	s23 =	simm.s32 $0x1B8B  }
0xa2: {  	_ =	swait.ge [sflag:s23], $0x1  }
0xa3: {  	[sflag:s23] =	ssyncset.done $0x0  }
0xa4: {  	s25 =	simm.s32 $0x1B8E;
	s24 =	sld [smem:$0x3FFE];
	[sflag:s23] =	ssyncadd.s32 $0xFFFFFFFF  }
0xa5: {  	s26 =	simm.s32 $execute0_lowered;
	[smem:$0x3FD2] =	sst s25  }
0xa6: {  	s5 =	sshll.u32 s26, $0x1;
	_ =	strace $0x80000049;
	[dreg:$0x1] =	wrdreg $0xFFFFFFFF  }
0xa7: {  	s28 =	simm.s32 $_size_execute0_lowered;
	s3 =	sadd.s32 s3, s5;
	[dreg:$0x0] =	wrdreg $0x0  }
0xa8: {  	s5 =	sshll.u32 s28, $0x1;
	[dreg:$0x2] =	wrdreg s3  }
0xa9: {  	[dreg:$0x3] =	wrdreg s5  }
0xaa: {  	[dreg:$0x4] =	wrdreg $0xC0  }
0xab: {  	_ =	task [dreg:s7], $0x5FFFF  }
0xac: {  	[dreg:$0x1] =	wrdreg $0xFFFFFFFF  }
0xad: {  	[dreg:$0x0] =	wrdreg $0x60  }
0xae: {  	[dreg:$0x2] =	wrdreg s24  }
0xaf: {  	[dreg:$0x3] =	wrdreg s2  }
0xb0: {  	[dreg:$0x4] =	wrdreg $0x0  }
0xb1: {  	[dreg:$0x5] =	wrdreg $0x9  }
0xb2: {  	_ =	task.clear_ibuf [dreg:s7], $0x6FFFF;
	_ =	strace $0x90000049  }
0xb3: {  	s29 =	simm.s32 $0x9;
	_ =	strace $0x8000004B  }
0xb4: {  	_ =	swait.ge [sflag:s29], $0x1  }
0xb5: {  	[sflag:s29] =	ssyncadd.s32 $0xFFFFFFFF  }
0xb6: {  	_ =	strace $0x9000004B  }
0xb7: {  	_ =	sfence  }
0xb8: {  	s30 =	sld [smem:$0x0];
	_ =	sdelay $0x2  }
0xb9: {  	s31 =	sshll.u32 s1, $0xD;
	s1 =	sshrl.u32 s1, $0x2  }
0xba: {  	s3 =	sand.u32 $0x4000, s31;
	s1 =	sadd.s32 s1, s30  }
0xbb: {  	s0 =	sor.u32 s3, s0;
	s1 =	sshll.u32 s1, $0x11  }
0xbc: {  	s0 =	sor.u32 s1, s0  }
0xbd: {  	s0 =	sadd.s32 $0x8F2B, s0  }
0xbe: {  	[sflag:s0] =	ssyncadd.remote.s32 $0x1  }
0xbf: {  	_ =	sfence.sel $0xFFFF  }
0xc0: {  	[dreg:$0x0] =	wrdreg $0xFFFFFFFF;
	(pc) =	sbr.abs _section_cstart, $3  }
0xc1: {  	[dreg:$0x1] =	wrdreg $0xFFFFFFFF  }
0xc2: {  	_ =	task.clear_ibuf [dreg:s7], $0x2FFFF;
	_ =	strace $0x9FFFFFFF  }
0xc3: {  	(tm) =	ssettm $0x7FFFFFFF  }
tec
execute0_lowered:
.L_overlay_start_1:
0x0: {  	(tag) =	ssettag $0x1  }
0x1: {  	s0 =	rddreg [dreg:$0x0]  }
0x2: {  	s1 =	srdreg.scid;
	s2 =	rddreg [dreg:$0x2]  }
0x3: {  	s11 =	stileid.u32;
	s4 =	simm.s32 $0x0;
	s12 =	simm.s32 $0x5  }
0x4: {  	s14 =	simm.s32 $0x50;
	s15 =	simm.s32 $0xEF60;
	s17 =	simm.s32 $0x10360  }
0x5: {  	s19 =	simm.s32 $0x11760;
	s21 =	simm.s32 $0x12B60;
	s22 =	simm.s32 $0x1  }
0x6: {  	s23 =	simm.s32 $0xEE20;
	s28 =	simm.s32 $0x3;
	s29 =	simm.s32 $0xEEC0  }
0x7: {  	s30 =	simm.s32 $0x4;
	s31 =	simm.s32 $0xEF10;
	s1 =	sand.u32 $0x1, s1  }
0x8: {  	[smem:$0x7FF] =	sst s4;
	s8 =	sadd.s32 $0x1400, s0;
	s3 =	sshll.u32 s1, $0x4  }
0x9: {  	s5 =	sadd.s32 $0x14E00, s0;
	s10 =	smul.u32 $0x28000, s11;
	s3 =	sor.u32 s11, s3  }
0xa: {  	p0 =	sne.s32 s11, $0x0;
	s1 =	ssub.s32 $0x2, s1;
	s6 =	smul.u32 $0x1400, s3  }
0xb: {  	_ =	strace $0x8000004A;
	s25 =	sshrl.u32 s1, $0x1;
	s7 =	smul.u32 $0x2710, s3  }
0xc: {  	s26 =	sshrl.u32 s10, $0x2;
	s10 =	sshrl.u32 @!p0 s2, $0x3;
	s3 =	smul.u32 $0x4E2, s3  }
.Ltmp0:
0xd: {  	s11 =	simm.s32 $0xA000;
	s1 =	ssub.s32 s1, s25;
	(pc) =	sbr.rel .LBB2_1-.Ltmp0, $4  }
0xe: {  	s0 =	sadd.s32 s6, s0;
	s24 =	sshrl.u32 s7, $0x3;
	s6 =	sadd.s32 s8, s3  }
0xf: {  	s9 =	sadd.s32 s8, s24;
	s8 =	sadd.s32 $0x28800, s0;
	s0 =	sadd.s32 s26, s2  }
0x10: {  	s24 =	simm.s32 $0x2;
	s26 =	simm.s32 $0xEE70;
	s7 =	sadd.s32 $0x9C40, s9  }
0x11: {  	s9 =	smax.u32 s1, $0x1;
	s25 =	sshrl.u32 s0, $0x3;
	s0 =	simm.s32 $0x0  }
.LBB2_4:
0x12: {  	v0 =	vld [tilespmem:$0xEDD0]  }
0x13: {  	v1 =	vld [tilespmem:$0xEDE0]  }
0x14: {  	v2 =	vld [tilespmem:$0xEDF0]  }
0x15: {  	v3 =	vld [tilespmem:$0xEE00]  }
0x16: {  	v4 =	vld [tilespmem:$0xEE10]  }
0x17: {  	[tilespmem:$0xEE20] =	vst v0  }
0x18: {  	[tilespmem:$0xEE30] =	vst v1  }
0x19: {  	[tilespmem:$0xEE40] =	vst v2  }
0x1a: {  	[tilespmem:$0xEE50] =	vst v3  }
0x1b: {  	[tilespmem:$0xEE60] =	vst v4  }
0x1c: {  	_ =	swait.ge [sflag:s22], $0x1400  }
0x1d: {  	[sflag:s22] =	ssyncset.done $0x0  }
0x1e: {  	[sflag:s22] =	ssyncadd.s32 $0xFFFFEC00  }
0x1f: {  	[spmem:s2] =	stream.indirect.scatter.add.bf16 [tilespmem:s15], [sflag:$0x5], $0x40, s23, s14, $0xb8;
	[tilespmem:$0x13F60] =	vst v63  }
0x20: {  	_ =	swait.ge [sflag:s12], $0x1400  }
0x21: {  	s1 =	stileid.u32;
	s0 =	sadd.s32 $0x1, s0;
	[sflag:s12] =	ssyncset.done $0x0  }
0x22: {  	s1 =	sshll.u32 s1, $0x6;
	p1 =	sne.s32 s0, s9;
	[sflag:s12] =	ssyncadd.s32 $0xFFFFEC00  }
.Ltmp1:
0x23: {  	s1 =	sor.u32 $0x1C05, s1;
	[bflag:$0x0] =	sbarrier.arrive $0xFFFF;
	(pc) =	sbr.rel @!p1 .LBB2_5-.Ltmp1, $4  }
0x24: {  	[hbm:s8], [sflag:s1] =	dma.local [spmem:s25], $0x1400  }
0x25: {  	_ =	swait.ge [sflag:s12], $0x1400  }
0x26: {  	[sflag:s12] =	ssyncset.done $0x0  }
0x27: {  	[sflag:s12] =	ssyncadd.s32 $0xFFFFEC00  }
.LBB2_1:
0x28: {  	s1 =	simm.s32 @!p0 $0x1C05;
	s3 =	rddreg [dreg:$0x1]  }
0x29: {  	[spmem:s10], [sflag:s1] =	dma.local @!p0 [hbm:s3], $0x14000  }
0x2a: {  	s1 =	simm.s32 @!p0 $0x5  }
0x2b: {  	_ =	swait.ge @!p0 [sflag:s1], $0x14000  }
0x2c: {  	[sflag:s1] =	ssyncset.done @!p0 $0x0  }
0x2d: {  	[sflag:s1] =	ssyncadd.s32 @!p0 $0xFFFEC000  }
0x2e: {  	[tilespmem:s11], [sflag:$0x5] =	stream.linear.gather [hbm4b:s6+s4], $0x2710, $0x38;
	[tilespmem:$0x13F60] =	vst v63  }
0x2f: {  	_ =	swait.ge [sflag:s12], $0x2710  }
0x30: {  	[sflag:s12] =	ssyncset.done $0x0  }
0x31: {  	s13 =	simm.s32 $0xC710;
	[sflag:s12] =	ssyncadd.s32 $0xFFFFD8F0  }
0x32: {  	[tilespmem:s13], [sflag:$0x5] =	stream.linear.gather [hbm4b:s7+s4], $0x2710, $0x38;
	[tilespmem:$0x13F60] =	vst v63  }
0x33: {  	_ =	swait.ge [sflag:s12], $0x2710  }
0x34: {  	[sflag:s12] =	ssyncset.done $0x0  }
0x35: {  	[sflag:s12] =	ssyncadd.s32 $0xFFFFD8F0  }
0x36: {  	[bflag:$0x0] =	sbarrier.arrive $0xFFFF  }
0x37: {  	[tilespmem:s15], [sflag:$0x1] =	stream.indirect.gather [hbm4b:s5+s14], $0x40, s11, s14, $0xb8;
	[tilespmem:$0x13F60] =	vst v63  }
0x38: {  	s16 =	simm.s32 $0xA050  }
0x39: {  	[tilespmem:s17], [sflag:$0x2] =	stream.indirect.gather [hbm4b:s5+s14], $0x40, s16, s14, $0xb8;
	[tilespmem:$0x13F60] =	vst v63  }
0x3a: {  	s18 =	simm.s32 $0xA0A0  }
0x3b: {  	[tilespmem:s19], [sflag:$0x3] =	stream.indirect.gather [hbm4b:s5+s14], $0x40, s18, s14, $0xb8;
	[tilespmem:$0x13F60] =	vst v63  }
0x3c: {  	s20 =	simm.s32 $0xA0F0;
	s1 =	simm.s32 $0x0  }
0x3d: {  	[tilespmem:s21], [sflag:$0x4] =	stream.indirect.gather [hbm4b:s5+s14], $0x40, s20, s14, $0xb8;
	[tilespmem:$0x13F60] =	vst v63  }
.LBB2_2:
0x3e: {  	s3 =	sshra.s32 s1, $0x2  }
0x3f: {  	v0 =	vld [tilespmem:s3+$0xC710];
	_ =	sdelay $0x4  }
0x40: {  	[tilespmem:$0xEE20] =	vst v0  }
0x41: {  	v0 =	vld [tilespmem:s3+$0xC720];
	_ =	sdelay $0x4  }
0x42: {  	[tilespmem:$0xEE30] =	vst v0  }
0x43: {  	v0 =	vld [tilespmem:s3+$0xC730];
	_ =	sdelay $0x4  }
0x44: {  	[tilespmem:$0xEE40] =	vst v0  }
0x45: {  	v0 =	vld [tilespmem:s3+$0xC740];
	_ =	sdelay $0x4  }
0x46: {  	[tilespmem:$0xEE50] =	vst v0  }
0x47: {  	v0 =	vld [tilespmem:s3+$0xC750];
	_ =	sdelay $0x4  }
0x48: {  	[tilespmem:$0xEE60] =	vst v0  }
0x49: {  	_ =	swait.ge [sflag:s22], $0x1400  }
0x4a: {  	[sflag:s22] =	ssyncset.done $0x0  }
0x4b: {  	[sflag:s22] =	ssyncadd.s32 $0xFFFFEC00  }
0x4c: {  	[spmem:s2] =	stream.indirect.scatter.add.bf16 [tilespmem:s15], [sflag:$0x5], $0x40, s23, s14, $0xb8;
	[tilespmem:$0x13F60] =	vst v63  }
0x4d: {  	_ =	swait.ge [sflag:s12], $0x1400  }
0x4e: {  	[sflag:s12] =	ssyncset.done $0x0  }
0x4f: {  	s13 =	sadd.s32 $0xA140, s3;
	[sflag:s12] =	ssyncadd.s32 $0xFFFFEC00  }
0x50: {  	[tilespmem:s15], [sflag:$0x1] =	stream.indirect.gather [hbm4b:s5+s14], $0x40, s13, s14, $0xb8;
	[tilespmem:$0x13F60] =	vst v63  }
0x51: {  	v61 =	vld [tilespmem:s3+$0xC760];
	_ =	sdelay $0x4  }
0x52: {  	[tilespmem:$0xEE70] =	vst v61  }
0x53: {  	v0 =	vld [tilespmem:s3+$0xC770];
	_ =	sdelay $0x4  }
0x54: {  	[tilespmem:$0xEE80] =	vst v0  }
0x55: {  	v0 =	vld [tilespmem:s3+$0xC780];
	_ =	sdelay $0x4  }
0x56: {  	[tilespmem:$0xEE90] =	vst v0  }
0x57: {  	v0 =	vld [tilespmem:s3+$0xC790];
	_ =	sdelay $0x4  }
0x58: {  	[tilespmem:$0xEEA0] =	vst v0  }
0x59: {  	v0 =	vld [tilespmem:s3+$0xC7A0];
	_ =	sdelay $0x4  }
0x5a: {  	[tilespmem:$0xEEB0] =	vst v0  }
0x5b: {  	_ =	swait.ge [sflag:s24], $0x1400  }
0x5c: {  	[sflag:s24] =	ssyncset.done $0x0  }
0x5d: {  	[sflag:s24] =	ssyncadd.s32 $0xFFFFEC00  }
0x5e: {  	[spmem:s2] =	stream.indirect.scatter.add.bf16 [tilespmem:s17], [sflag:$0x5], $0x40, s26, s14, $0xb8;
	[tilespmem:$0x13F60] =	vst v63  }
0x5f: {  	p1 =	seq.s32 s1, $0x9600;
	_ =	swait.ge [sflag:s12], $0x1400  }
0x60: {  	s18 =	simm.s32 @!p1 $0x50;
	s13 =	sshra.s32 @!p1 s1, $0x2;
	[sflag:s12] =	ssyncset.done $0x0  }
0x61: {  	s20 =	simm.s32 @!p1 $0x10360;
	s16 =	sadd.s32 @!p1 $0xA190, s13;
	[sflag:s12] =	ssyncadd.s32 $0xFFFFEC00  }
0x62: {  	[tilespmem:s20], [sflag:$0x2] =	stream.indirect.gather @!p1 [hbm4b:s5+s18], $0x40, s16, s18, $0xb8;
	[tilespmem:$0x13F60] =	vst v63  }
0x63: {  	v62 =	vld [tilespmem:s3+$0xC7B0];
	_ =	sdelay $0x4  }
0x64: {  	[tilespmem:$0xEEC0] =	vst v62  }
0x65: {  	v0 =	vld [tilespmem:s3+$0xC7C0];
	_ =	sdelay $0x4  }
0x66: {  	[tilespmem:$0xEED0] =	vst v0  }
0x67: {  	v0 =	vld [tilespmem:s3+$0xC7D0];
	_ =	sdelay $0x4  }
0x68: {  	[tilespmem:$0xEEE0] =	vst v0  }
0x69: {  	v0 =	vld [tilespmem:s3+$0xC7E0];
	_ =	sdelay $0x4  }
0x6a: {  	[tilespmem:$0xEEF0] =	vst v0  }
0x6b: {  	v0 =	vld [tilespmem:s3+$0xC7F0];
	_ =	sdelay $0x4  }
0x6c: {  	[tilespmem:$0xEF00] =	vst v0  }
0x6d: {  	_ =	swait.ge [sflag:s28], $0x1400  }
0x6e: {  	[sflag:s28] =	ssyncset.done $0x0  }
0x6f: {  	[sflag:s28] =	ssyncadd.s32 $0xFFFFEC00  }
0x70: {  	[spmem:s2] =	stream.indirect.scatter.add.bf16 [tilespmem:s19], [sflag:$0x5], $0x40, s29, s14, $0xb8;
	[tilespmem:$0x13F60] =	vst v63  }
0x71: {  	_ =	swait.ge [sflag:s12], $0x1400  }
0x72: {  	[sflag:s12] =	ssyncset.done $0x0  }
0x73: {  	s13 =	sadd.s32 @!p1 $0xA1E0, s13;
	s16 =	simm.s32 @!p1 $0x11760;
	[sflag:s12] =	ssyncadd.s32 $0xFFFFEC00  }
0x74: {  	[tilespmem:s16], [sflag:$0x3] =	stream.indirect.gather @!p1 [hbm4b:s5+s18], $0x40, s13, s18, $0xb8;
	[tilespmem:$0x13F60] =	vst v63  }
0x75: {  	v63 =	vld [tilespmem:s3+$0xC800];
	_ =	sdelay $0x4  }
0x76: {  	[tilespmem:$0xEF10] =	vst v63  }
0x77: {  	v0 =	vld [tilespmem:s3+$0xC810];
	_ =	sdelay $0x4  }
0x78: {  	[tilespmem:$0xEF20] =	vst v0  }
0x79: {  	v0 =	vld [tilespmem:s3+$0xC820];
	_ =	sdelay $0x4  }
0x7a: {  	[tilespmem:$0xEF30] =	vst v0  }
0x7b: {  	v0 =	vld [tilespmem:s3+$0xC830];
	_ =	sdelay $0x4  }
0x7c: {  	[tilespmem:$0xEF40] =	vst v0  }
0x7d: {  	v0 =	vld [tilespmem:s3+$0xC840];
	_ =	sdelay $0x4  }
0x7e: {  	[tilespmem:$0xEF50] =	vst v0  }
0x7f: {  	_ =	swait.ge [sflag:s30], $0x1400  }
0x80: {  	[sflag:s30] =	ssyncset.done $0x0  }
.Ltmp2:
0x81: {  	[sflag:s30] =	ssyncadd.s32 $0xFFFFEC00;
	(pc) =	sbr.rel @p1 .LBB2_4-.Ltmp2, $4  }
0x82: {  	[spmem:s2] =	stream.indirect.scatter.add.bf16 [tilespmem:s21], [sflag:$0x5], $0x40, s31, s14, $0xb8;
	[tilespmem:$0x13F60] =	vst v63  }
0x83: {  	_ =	swait.ge [sflag:s12], $0x1400  }
0x84: {  	[sflag:s12] =	ssyncset.done $0x0  }
0x85: {  	[sflag:s12] =	ssyncadd.s32 $0xFFFFEC00  }
.Ltmp3:
0x86: {  	(pc) =	sbr.rel .LBB2_2-.Ltmp3, $3  }
0x87: {  	_ =	sdelay $0x1  }
0x88: {  	s3 =	sadd.s32 $0xA230, s3;
	s1 =	sadd.s32 $0x500, s1  }
0x89: {  	[tilespmem:s21], [sflag:$0x4] =	stream.indirect.gather [hbm4b:s5+s14], $0x40, s3, s14, $0xb8;
	[tilespmem:$0x13F60] =	vst v63  }
.LBB2_5:
0x8a: {  	_ =	sfence.sel $0x180000  }
0x8b: {  	[bflag:$0x0] =	sbarrier.arrive $0xFFFF  }
0x8c: {  	_ =	strace $0x9000004A  }
0x8d: {  	[bflag:$0x2] =	sbarrier.arrive $0xFFFF  }
0x8e: {  	s0 =	rddreg [dreg:$0x3]  }
0x8f: {  	s0 =	sadd.s32 @!p0 $0x100000, s0  }
0x90: {  	[sflag:s0] =	ssyncadd.tile.s32 @!p0 $0x1;
	_ =	shalt  }
.Lfunc_end2:
_tile_overlayer_lowered:
.L_overlay_start_2:
0x91: {  	(tag) =	ssettag $0x2  }
0x92: {  	s0 =	rddreg [dreg:$0x0];
	s2 =	stileid.u32  }
0x93: {  	s1 =	rddreg [dreg:$0x1];
	p0 =	sne.s32 s2, $0x0  }
0x94: {  	s3 =	rddreg [dreg:$0x2];
	[bflag:$0x3] =	sbarrier.arrive $0xFFFF;
	s2 =	simm.s32 @!p0 $0x1C05  }
0x95: {  	[timem:s3], [sflag:s2] =	dma.local @!p0 [hbm:s0], s1  }
0x96: {  	s0 =	simm.s32 @!p0 $0x5  }
0x97: {  	_ =	swait.ge @!p0 [sflag:s0], s1  }
0x98: {  	s1 =	ssub.s32 @!p0 $0x0, s1;
	[sflag:s0] =	ssyncset.done @!p0 $0x0  }
0x99: {  	[sflag:s0] =	ssyncadd.s32 @!p0 s1  }
0x9a: {  	[bflag:$0x3] =	sbarrier.arrive $0xFFFF  }
0x9b: {  	_ =	shalt  }

</sc_bundles>
